<compile_context>
chip_gen: v7x
topology: tpu7x:2x2x1
jax: 0.10.2.dev20260603
libtpu: 0.0.44.dev20260713+nightly
codegen_flags: <defaults>
</compile_context>

<pallas_src>
import functools

import jax
import jax.numpy as jnp
from jax import lax
from jax.experimental import pallas as pl
from jax.experimental.pallas import tpu as pltpu
from jax.experimental.pallas import tpu_sc as plsc

NUM_CORES = 2
NUM_SUBCORES = 16
NUM_WORKERS = NUM_CORES * NUM_SUBCORES

LANES = 16
CHUNK = 16
NPE = 2
NX = 4


def _pe_add_kernel(n_rows: int, d: int):
    rows_per_w = n_rows // NUM_WORKERS
    n_chunks = rows_per_w // CHUNK
    assert n_chunks % NX == 0 and n_chunks >= 2 * NX
    mesh = plsc.VectorSubcoreMesh(core_axis_name="c", subcore_axis_name="s")

    @functools.partial(
        pl.kernel,
        mesh=mesh,
        out_type=jax.ShapeDtypeStruct((n_rows, d), jnp.float32),
        scratch_types=[
            [pltpu.VMEM((CHUNK,), jnp.int32) for _ in range(NPE)],
            [pltpu.VMEM((CHUNK, d), jnp.float32) for _ in range(NPE)],
            [pltpu.VMEM((CHUNK, d), jnp.float32) for _ in range(NX)],
            [pltpu.SemaphoreType.DMA for _ in range(NPE)],
            [pltpu.SemaphoreType.DMA for _ in range(NPE)],
            [pltpu.SemaphoreType.DMA for _ in range(NX)],
            [pltpu.SemaphoreType.DMA for _ in range(NX)],
        ],
    )
    def body(x_hbm, idx_hbm, pe_hbm, out_hbm,
             idx_v, pe_buf, x_buf, sem_i, sem_g, sem_x, sem_o):
        wid = lax.axis_index("s") * NUM_CORES + lax.axis_index("c")
        base0 = wid * rows_per_w

        def idx_copy(j, bp):
            base = base0 + j * CHUNK
            return pltpu.make_async_copy(idx_hbm.at[pl.ds(base, CHUNK)],
                                         idx_v[bp], sem_i[bp])

        def issue_gather_x(j, bp, bx):
            base = base0 + j * CHUNK
            pltpu.async_copy(pe_hbm.at[idx_v[bp]], pe_buf[bp], sem_g[bp])
            pltpu.async_copy(x_hbm.at[pl.ds(base, CHUNK)], x_buf[bx], sem_x[bx])

        for b in range(NPE):
            idx_copy(b, b).start()
            idx_copy(b, b).wait()
            issue_gather_x(b, b, b)

        @pl.loop(0, n_chunks, step=NX)
        def chunk_group(g):
            for b in range(NX):
                bp = b % NPE
                j = g + b
                base = base0 + j * CHUNK
                pltpu.make_async_copy(pe_hbm.at[idx_v[bp]], pe_buf[bp],
                                      sem_g[bp]).wait()
                pltpu.make_async_copy(x_hbm.at[pl.ds(base, CHUNK)],
                                      x_buf[b], sem_x[b]).wait()

                @pl.when(j + 2 < n_chunks)
                def _():
                    idx_copy(j + 2, bp).start()

                b2 = (b + 2) % NX
                base2 = base + 2 * CHUNK

                @pl.when(j >= 2)
                def _():
                    pltpu.make_async_copy(
                        x_buf[b2],
                        out_hbm.at[pl.ds(base - 2 * CHUNK, CHUNK)],
                        sem_o[b2]).wait()

                @pl.when(j + 2 < n_chunks)
                def _():
                    pltpu.async_copy(x_hbm.at[pl.ds(base2, CHUNK)],
                                     x_buf[b2], sem_x[b2])

                cpr = d // LANES
                shift = cpr.bit_length() - 1

                @plsc.parallel_loop(0, CHUNK * cpr, unroll=8)
                def sl_body(i):
                    r = lax.shift_right_logical(i, shift)
                    sl = pl.ds((i & (cpr - 1)) * LANES, LANES)
                    plsc.addupdate(x_buf[b].at[r, sl], pe_buf[bp][r, sl])

                pltpu.async_copy(x_buf[b], out_hbm.at[pl.ds(base, CHUNK)],
                                 sem_o[b])

                @pl.when(j + 2 < n_chunks)
                def _():
                    idx_copy(j + 2, bp).wait()
                    pltpu.async_copy(pe_hbm.at[idx_v[bp]], pe_buf[bp],
                                     sem_g[bp])

        for j in (n_chunks - 2, n_chunks - 1):
            base = base0 + j * CHUNK
            pltpu.make_async_copy(x_buf[j % NX],
                                  out_hbm.at[pl.ds(base, CHUNK)],
                                  sem_o[j % NX]).wait()

    return body


def kernel(x, time_fra, frame_emb, pe):
    b, s, d = x.shape
    n = b * s
    xf = x.reshape(n, d)
    idx = time_fra.reshape(n).astype(jnp.int32)
    out = _pe_add_kernel(n, d)(xf, idx, pe)
    return out.reshape(b, s, d)

# --- scband reference (transcript-rebuilt; emitter-appended) ---
"""Pipeline reference for scband-positional-encoding-frame-26869315404024 (READ-ONLY COPY).

The authoritative reference and input builder live on the scoring server;
editing this copy changes nothing except your own understanding.
"""

import math
import jax, jax.numpy as jnp
import numpy as np

D_MODEL = 1024
MAX_LEN = 8192
DIV_DIM = 10000.0
BATCH = 4
SEQ = 8192


def make_pe(d_model, max_len, div_dim):
    position = np.arange(0, max_len).astype(np.float32)[:, None]
    div_term = np.exp(np.arange(0, d_model, 2).astype(np.float32) * -(math.log(div_dim) / d_model))
    pe = np.zeros((max_len, d_model), dtype=np.float32)
    pe[:, 0::2] = np.sin(position * div_term)
    pe[:, 1::2] = np.cos(position * div_term)
    return jnp.asarray(pe)


def setup_inputs(seed: int = 0) -> dict:
    key = jax.random.key(seed)
    k_x, k_t = jax.random.split(key, 2)
    x = jax.random.normal(k_x, (BATCH, SEQ, D_MODEL), dtype=jnp.float32)
    time_fra = jax.random.randint(k_t, (BATCH, SEQ), 0, MAX_LEN, dtype=jnp.int64 if jax.config.jax_enable_x64 else jnp.int32)
    frame_emb = jnp.zeros((BATCH, SEQ, D_MODEL), dtype=jnp.float32)
    pe = make_pe(D_MODEL, MAX_LEN, DIV_DIM)
    return {"x": x, "time_fra": time_fra, "frame_emb": frame_emb, "pe": pe}


def reference(x, time_fra, frame_emb, pe):
    # frame_emb[i, :] = pe[:, fra] for each batch element -> vectorized gather
    # pe has shape [max_len, d_model]; gather rows by time_fra -> [B, S, d_model]
    frame_emb_new = jnp.take(pe, time_fra, axis=0)
    out = x + frame_emb_new
    # dropout p=0.0 -> identity
    return out

if __name__ == "__main__":
    import jax
    _d = setup_inputs()
    print(jax.jit(kernel)(*tuple(_d.values())))

</pallas_src>

<mosaic_0001>
#map = affine_map<(d0, d1) -> (0, 0)>
#map1 = affine_map<(d0, d1) -> (0)>
module attributes {stable_mosaic.version = 14 : i64} {
  func.func @body(%arg0: i32, %arg1: i32, %arg2: memref<32768x1024xf32, #tpu.memory_space<hbm>>, %arg3: memref<32768xi32, #tpu.memory_space<hbm>>, %arg4: memref<8192x1024xf32, #tpu.memory_space<hbm>>, %arg5: memref<32768x1024xf32, #tpu.memory_space<hbm>>, %arg6: memref<16xi32, #tpu.memory_space<vmem>>, %arg7: memref<16xi32, #tpu.memory_space<vmem>>, %arg8: memref<16x1024xf32, #tpu.memory_space<vmem>>, %arg9: memref<16x1024xf32, #tpu.memory_space<vmem>>, %arg10: memref<16x1024xf32, #tpu.memory_space<vmem>>, %arg11: memref<16x1024xf32, #tpu.memory_space<vmem>>, %arg12: memref<16x1024xf32, #tpu.memory_space<vmem>>, %arg13: memref<16x1024xf32, #tpu.memory_space<vmem>>, %arg14: memref<!tpu.dma_semaphore, #tpu.memory_space<semaphore_mem>>, %arg15: memref<!tpu.dma_semaphore, #tpu.memory_space<semaphore_mem>>, %arg16: memref<!tpu.dma_semaphore, #tpu.memory_space<semaphore_mem>>, %arg17: memref<!tpu.dma_semaphore, #tpu.memory_space<semaphore_mem>>, %arg18: memref<!tpu.dma_semaphore, #tpu.memory_space<semaphore_mem>>, %arg19: memref<!tpu.dma_semaphore, #tpu.memory_space<semaphore_mem>>, %arg20: memref<!tpu.dma_semaphore, #tpu.memory_space<semaphore_mem>>, %arg21: memref<!tpu.dma_semaphore, #tpu.memory_space<semaphore_mem>>, %arg22: memref<!tpu.dma_semaphore, #tpu.memory_space<semaphore_mem>>, %arg23: memref<!tpu.dma_semaphore, #tpu.memory_space<semaphore_mem>>, %arg24: memref<!tpu.dma_semaphore, #tpu.memory_space<semaphore_mem>>, %arg25: memref<!tpu.dma_semaphore, #tpu.memory_space<semaphore_mem>>) attributes {dimension_semantics = [#tpu.dimension_semantics<core_parallel>, #tpu.dimension_semantics<subcore_parallel>], iteration_bounds = array<i64: 2, 16>, scalar_prefetch = 0 : i64, scratch_operands = 20 : i64, tpu.core_type = #tpu.core_type<sc_vector_subcore>, window_params = [{transform_indices = #map}, {transform_indices = #map1}, {transform_indices = #map}, {transform_indices = #map}]} {
    %mul3A = arith.constant 2 : i32
    %mul3A_0 = arith.muli %arg1, %mul3A : i32
    %add3A = arith.addi %mul3A_0, %arg0 : i32
    %mul3A_1 = arith.constant 1024 : i32
    %mul3A_2 = arith.muli %add3A, %mul3A_1 : i32
    %add3A_3 = arith.constant 0 : i32
    %add3A_4 = arith.addi %mul3A_2, %add3A_3 : i32
    %dma_start3A = tpu.memref_slice %arg3[%add3A_4] : memref<32768xi32, #tpu.memory_space<hbm>> -> memref<16xi32, #tpu.memory_space<hbm>>
    %dma_start3A_5 = tpu.memref_slice %arg3[%add3A_4] : memref<32768xi32, #tpu.memory_space<hbm>> -> memref<16xi32, #tpu.memory_space<hbm>>
    tpu.enqueue_dma source(%dma_start3A_5 : memref<16xi32, #tpu.memory_space<hbm>>) target(%arg6 : memref<16xi32, #tpu.memory_space<vmem>>) target_semaphore(%arg14 : memref<!tpu.dma_semaphore, #tpu.memory_space<semaphore_mem>>)
    %add3A_6 = arith.constant 0 : i32
    %add3A_7 = arith.addi %mul3A_2, %add3A_6 : i32
    %dma_wait3A = tpu.memref_slice %arg3[%add3A_7] : memref<32768xi32, #tpu.memory_space<hbm>> -> memref<16xi32, #tpu.memory_space<hbm>>
    %dma_wait3A_8 = tpu.memref_slice %arg3[%add3A_7] : memref<32768xi32, #tpu.memory_space<hbm>> -> memref<16xi32, #tpu.memory_space<hbm>>
    tpu.wait_dma2 semaphore(%arg14 : memref<!tpu.dma_semaphore, #tpu.memory_space<semaphore_mem>>) src(%dma_wait3A_8 : memref<16xi32, #tpu.memory_space<hbm>>) dst(%arg6 : memref<16xi32, #tpu.memory_space<vmem>>)
    %add3A_9 = arith.constant 0 : i32
    %add3A_10 = arith.addi %mul3A_2, %add3A_9 : i32
    %dma_start3A_11 = arith.constant 0 : i32
    %dma_start3A_12 = arith.constant 0 : i32
    %dma_start3A_13 = tpu.memref_slice %arg4[%dma_start3A_11, %dma_start3A_12] : memref<8192x1024xf32, #tpu.memory_space<hbm>> -> memref<8192x1024xf32, #tpu.memory_space<hbm>>
    tpu.enqueue_indirect_dma source(%dma_start3A_13 : memref<8192x1024xf32, #tpu.memory_space<hbm>>) target(%arg8 : memref<16x1024xf32, #tpu.memory_space<vmem>>) offsets(%arg6 : memref<16xi32, #tpu.memory_space<vmem>>) semaphore(%arg16 : memref<!tpu.dma_semaphore, #tpu.memory_space<semaphore_mem>>)
    %dma_start3A_14 = arith.constant 0 : i32
    %dma_start3A_15 = tpu.memref_slice %arg2[%add3A_10, %dma_start3A_14] : memref<32768x1024xf32, #tpu.memory_space<hbm>> -> memref<16x1024xf32, #tpu.memory_space<hbm>>
    %dma_start3A_16 = arith.constant 0 : i32
    %dma_start3A_17 = tpu.memref_slice %arg2[%add3A_10, %dma_start3A_16] : memref<32768x1024xf32, #tpu.memory_space<hbm>> -> memref<16x1024xf32, #tpu.memory_space<hbm>>
    tpu.enqueue_dma source(%dma_start3A_17 : memref<16x1024xf32, #tpu.memory_space<hbm>>) target(%arg10 : memref<16x1024xf32, #tpu.memory_space<vmem>>) target_semaphore(%arg18 : memref<!tpu.dma_semaphore, #tpu.memory_space<semaphore_mem>>)
    %add3A_18 = arith.constant 16 : i32
    %add3A_19 = arith.addi %mul3A_2, %add3A_18 : i32
    %dma_start3A_20 = tpu.memref_slice %arg3[%add3A_19] : memref<32768xi32, #tpu.memory_space<hbm>> -> memref<16xi32, #tpu.memory_space<hbm>>
    %dma_start3A_21 = tpu.memref_slice %arg3[%add3A_19] : memref<32768xi32, #tpu.memory_space<hbm>> -> memref<16xi32, #tpu.memory_space<hbm>>
    tpu.enqueue_dma source(%dma_start3A_21 : memref<16xi32, #tpu.memory_space<hbm>>) target(%arg7 : memref<16xi32, #tpu.memory_space<vmem>>) target_semaphore(%arg15 : memref<!tpu.dma_semaphore, #tpu.memory_space<semaphore_mem>>)
    %add3A_22 = arith.constant 16 : i32
    %add3A_23 = arith.addi %mul3A_2, %add3A_22 : i32
    %dma_wait3A_24 = tpu.memref_slice %arg3[%add3A_23] : memref<32768xi32, #tpu.memory_space<hbm>> -> memref<16xi32, #tpu.memory_space<hbm>>
    %dma_wait3A_25 = tpu.memref_slice %arg3[%add3A_23] : memref<32768xi32, #tpu.memory_space<hbm>> -> memref<16xi32, #tpu.memory_space<hbm>>
    tpu.wait_dma2 semaphore(%arg15 : memref<!tpu.dma_semaphore, #tpu.memory_space<semaphore_mem>>) src(%dma_wait3A_25 : memref<16xi32, #tpu.memory_space<hbm>>) dst(%arg7 : memref<16xi32, #tpu.memory_space<vmem>>)
    %add3A_26 = arith.constant 16 : i32
    %add3A_27 = arith.addi %mul3A_2, %add3A_26 : i32
    %dma_start3A_28 = arith.constant 0 : i32
    %dma_start3A_29 = arith.constant 0 : i32
    %dma_start3A_30 = tpu.memref_slice %arg4[%dma_start3A_28, %dma_start3A_29] : memref<8192x1024xf32, #tpu.memory_space<hbm>> -> memref<8192x1024xf32, #tpu.memory_space<hbm>>
    tpu.enqueue_indirect_dma source(%dma_start3A_30 : memref<8192x1024xf32, #tpu.memory_space<hbm>>) target(%arg9 : memref<16x1024xf32, #tpu.memory_space<vmem>>) offsets(%arg7 : memref<16xi32, #tpu.memory_space<vmem>>) semaphore(%arg17 : memref<!tpu.dma_semaphore, #tpu.memory_space<semaphore_mem>>)
    %dma_start3A_31 = arith.constant 0 : i32
    %dma_start3A_32 = tpu.memref_slice %arg2[%add3A_27, %dma_start3A_31] : memref<32768x1024xf32, #tpu.memory_space<hbm>> -> memref<16x1024xf32, #tpu.memory_space<hbm>>
    %dma_start3A_33 = arith.constant 0 : i32
    %dma_start3A_34 = tpu.memref_slice %arg2[%add3A_27, %dma_start3A_33] : memref<32768x1024xf32, #tpu.memory_space<hbm>> -> memref<16x1024xf32, #tpu.memory_space<hbm>>
    tpu.enqueue_dma source(%dma_start3A_34 : memref<16x1024xf32, #tpu.memory_space<hbm>>) target(%arg11 : memref<16x1024xf32, #tpu.memory_space<vmem>>) target_semaphore(%arg19 : memref<!tpu.dma_semaphore, #tpu.memory_space<semaphore_mem>>)
    %scan3A = arith.constant 0 : i32
    %scan3A_35 = arith.constant 16 : i32
    %scan3A_36 = arith.addi %scan3A, %scan3A_35 : i32
    %scan3A_37 = arith.constant 1 : i32
    scf.for %scan3A_51 = %scan3A to %scan3A_36 step %scan3A_37  : i32 {
      %mul3A_52 = arith.constant 4 : i32
      %mul3A_53 = arith.muli %scan3A_51, %mul3A_52 : i32
      %add3A_54 = arith.constant 0 : i32
      %add3A_55 = arith.addi %add3A_54, %mul3A_53 : i32
      %add3A_56 = arith.constant 0 : i32
      %add3A_57 = arith.addi %add3A_55, %add3A_56 : i32
      %mul3A_58 = arith.constant 16 : i32
      %mul3A_59 = arith.muli %add3A_57, %mul3A_58 : i32
      %add3A_60 = arith.addi %mul3A_2, %mul3A_59 : i32
      %dma_wait3A_61 = arith.constant 0 : i32
      %dma_wait3A_62 = arith.constant 0 : i32
      %dma_wait3A_63 = tpu.memref_slice %arg4[%dma_wait3A_61, %dma_wait3A_62] : memref<8192x1024xf32, #tpu.memory_space<hbm>> -> memref<8192x1024xf32, #tpu.memory_space<hbm>>
      tpu.wait_indirect_dma semaphore(%arg16 : memref<!tpu.dma_semaphore, #tpu.memory_space<semaphore_mem>>) src(%dma_wait3A_63 : memref<8192x1024xf32, #tpu.memory_space<hbm>>) dst(%arg8 : memref<16x1024xf32, #tpu.memory_space<vmem>>)
      %dma_wait3A_64 = arith.constant 0 : i32
      %dma_wait3A_65 = tpu.memref_slice %arg2[%add3A_60, %dma_wait3A_64] : memref<32768x1024xf32, #tpu.memory_space<hbm>> -> memref<16x1024xf32, #tpu.memory_space<hbm>>
      %dma_wait3A_66 = arith.constant 0 : i32
      %dma_wait3A_67 = tpu.memref_slice %arg2[%add3A_60, %dma_wait3A_66] : memref<32768x1024xf32, #tpu.memory_space<hbm>> -> memref<16x1024xf32, #tpu.memory_space<hbm>>
      tpu.wait_dma2 semaphore(%arg18 : memref<!tpu.dma_semaphore, #tpu.memory_space<semaphore_mem>>) src(%dma_wait3A_67 : memref<16x1024xf32, #tpu.memory_space<hbm>>) dst(%arg10 : memref<16x1024xf32, #tpu.memory_space<vmem>>)
      %add3A_68 = arith.constant 2 : i32
      %add3A_69 = arith.addi %add3A_57, %add3A_68 : i32
      %lt3A = arith.constant 64 : i32
      %lt3A_70 = arith.cmpi slt, %add3A_69, %lt3A : i32
      %convert_element_type3A = arith.extui %lt3A_70 : i1 to i32
      %cond3A = arith.constant 0 : i32
      %cond3A_71 = arith.cmpi ne, %convert_element_type3A, %cond3A : i32
      scf.if %cond3A_71 {
        %add3A_239 = arith.constant 2 : i32
        %add3A_240 = arith.addi %add3A_57, %add3A_239 : i32
        %mul3A_241 = arith.constant 16 : i32
        %mul3A_242 = arith.muli %add3A_240, %mul3A_241 : i32
        %add3A_243 = arith.addi %mul3A_2, %mul3A_242 : i32
        %dma_start3A_244 = tpu.memref_slice %arg3[%add3A_243] : memref<32768xi32, #tpu.memory_space<hbm>> -> memref<16xi32, #tpu.memory_space<hbm>>
        %dma_start3A_245 = tpu.memref_slice %arg3[%add3A_243] : memref<32768xi32, #tpu.memory_space<hbm>> -> memref<16xi32, #tpu.memory_space<hbm>>
        tpu.enqueue_dma source(%dma_start3A_245 : memref<16xi32, #tpu.memory_space<hbm>>) target(%arg6 : memref<16xi32, #tpu.memory_space<vmem>>) target_semaphore(%arg14 : memref<!tpu.dma_semaphore, #tpu.memory_space<semaphore_mem>>)
      } else {
      }
      %add3A_72 = arith.constant 32 : i32
      %add3A_73 = arith.addi %add3A_60, %add3A_72 : i32
      %ge3A = arith.constant 2 : i32
      %ge3A_74 = arith.cmpi sge, %add3A_57, %ge3A : i32
      %convert_element_type3A_75 = arith.extui %ge3A_74 : i1 to i32
      %cond3A_76 = arith.constant 0 : i32
      %cond3A_77 = arith.cmpi ne, %convert_element_type3A_75, %cond3A_76 : i32
      scf.if %cond3A_77 {
        %sub3A = arith.constant 32 : i32
        %sub3A_239 = arith.subi %add3A_60, %sub3A : i32
        %dma_wait3A_240 = arith.constant 0 : i32
        %dma_wait3A_241 = tpu.memref_slice %arg5[%sub3A_239, %dma_wait3A_240] : memref<32768x1024xf32, #tpu.memory_space<hbm>> -> memref<16x1024xf32, #tpu.memory_space<hbm>>
        %dma_wait3A_242 = arith.constant 0 : i32
        %dma_wait3A_243 = tpu.memref_slice %arg5[%sub3A_239, %dma_wait3A_242] : memref<32768x1024xf32, #tpu.memory_space<hbm>> -> memref<16x1024xf32, #tpu.memory_space<hbm>>
        tpu.wait_dma2 semaphore(%arg24 : memref<!tpu.dma_semaphore, #tpu.memory_space<semaphore_mem>>) src(%arg12 : memref<16x1024xf32, #tpu.memory_space<vmem>>) dst(%dma_wait3A_243 : memref<16x1024xf32, #tpu.memory_space<hbm>>)
      } else {
      }
      %add3A_78 = arith.constant 2 : i32
      %add3A_79 = arith.addi %add3A_57, %add3A_78 : i32
      %lt3A_80 = arith.constant 64 : i32
      %lt3A_81 = arith.cmpi slt, %add3A_79, %lt3A_80 : i32
      %convert_element_type3A_82 = arith.extui %lt3A_81 : i1 to i32
      %cond3A_83 = arith.constant 0 : i32
      %cond3A_84 = arith.cmpi ne, %convert_element_type3A_82, %cond3A_83 : i32
      scf.if %cond3A_84 {
        %dma_start3A_239 = arith.constant 0 : i32
        %dma_start3A_240 = tpu.memref_slice %arg2[%add3A_73, %dma_start3A_239] : memref<32768x1024xf32, #tpu.memory_space<hbm>> -> memref<16x1024xf32, #tpu.memory_space<hbm>>
        %dma_start3A_241 = arith.constant 0 : i32
        %dma_start3A_242 = tpu.memref_slice %arg2[%add3A_73, %dma_start3A_241] : memref<32768x1024xf32, #tpu.memory_space<hbm>> -> memref<16x1024xf32, #tpu.memory_space<hbm>>
        tpu.enqueue_dma source(%dma_start3A_242 : memref<16x1024xf32, #tpu.memory_space<hbm>>) target(%arg12 : memref<16x1024xf32, #tpu.memory_space<vmem>>) target_semaphore(%arg20 : memref<!tpu.dma_semaphore, #tpu.memory_space<semaphore_mem>>)
      } else {
      }
      %parallel_loop3A = arith.constant 0 : i32
      %parallel_loop3A_85 = arith.constant 1024 : i32
      %parallel_loop3A_86 = arith.constant 1 : i32
      scf.for %parallel_loop3A_239 = %parallel_loop3A to %parallel_loop3A_85 step %parallel_loop3A_86  : i32 {
        %parallel_loop3A_240 = arith.constant 6 : i32
        %parallel_loop3A_241 = arith.shrui %parallel_loop3A_239, %parallel_loop3A_240 : i32
        %parallel_loop3A_242 = arith.constant 63 : i32
        %parallel_loop3A_243 = arith.andi %parallel_loop3A_239, %parallel_loop3A_242 : i32
        %parallel_loop3A_244 = arith.constant 16 : i32
        %parallel_loop3A_245 = arith.muli %parallel_loop3A_243, %parallel_loop3A_244 : i32
        %parallel_loop3A_246 = arith.index_cast %parallel_loop3A_241 : i32 to index
        %parallel_loop3A_247 = arith.index_cast %parallel_loop3A_245 : i32 to index
        %parallel_loop3A_248 = tpu.vector_load %arg8[%parallel_loop3A_246, %parallel_loop3A_247] {strides = array<i32>} : memref<16x1024xf32, #tpu.memory_space<vmem>>, vector<1x16xf32>,
        %parallel_loop3A_249 = vector.shape_cast %parallel_loop3A_248 : vector<1x16xf32> to vector<16xf32>
        %parallel_loop3A_250 = arith.index_cast %parallel_loop3A_241 : i32 to index
        %parallel_loop3A_251 = arith.index_cast %parallel_loop3A_245 : i32 to index
        %parallel_loop3A_252 = tpu.vector_load %arg10[%parallel_loop3A_250, %parallel_loop3A_251] {strides = array<i32>} : memref<16x1024xf32, #tpu.memory_space<vmem>>, vector<1x16xf32>,
        %parallel_loop3A_253 = vector.shape_cast %parallel_loop3A_252 : vector<1x16xf32> to vector<16xf32>
        %parallel_loop3A_254 = vector.shape_cast %parallel_loop3A_249 : vector<16xf32> to vector<1x16xf32>
        tpu.vector_store %arg10[%parallel_loop3A_250, %parallel_loop3A_251], %parallel_loop3A_254 {add = true, strides = array<i32>} : memref<16x1024xf32, #tpu.memory_space<vmem>>, vector<1x16xf32>,
      } {sc.loop_unroll_factor = 8 : i64, sc.parallel_access}
      %dma_start3A_87 = arith.constant 0 : i32
      %dma_start3A_88 = tpu.memref_slice %arg5[%add3A_60, %dma_start3A_87] : memref<32768x1024xf32, #tpu.memory_space<hbm>> -> memref<16x1024xf32, #tpu.memory_space<hbm>>
      %dma_start3A_89 = arith.constant 0 : i32
      %dma_start3A_90 = tpu.memref_slice %arg5[%add3A_60, %dma_start3A_89] : memref<32768x1024xf32, #tpu.memory_space<hbm>> -> memref<16x1024xf32, #tpu.memory_space<hbm>>
      tpu.enqueue_dma source(%arg10 : memref<16x1024xf32, #tpu.memory_space<vmem>>) target(%dma_start3A_90 : memref<16x1024xf32, #tpu.memory_space<hbm>>) target_semaphore(%arg22 : memref<!tpu.dma_semaphore, #tpu.memory_space<semaphore_mem>>)
      %add3A_91 = arith.constant 2 : i32
      %add3A_92 = arith.addi %add3A_57, %add3A_91 : i32
      %lt3A_93 = arith.constant 64 : i32
      %lt3A_94 = arith.cmpi slt, %add3A_92, %lt3A_93 : i32
      %convert_element_type3A_95 = arith.extui %lt3A_94 : i1 to i32
      %cond3A_96 = arith.constant 0 : i32
      %cond3A_97 = arith.cmpi ne, %convert_element_type3A_95, %cond3A_96 : i32
      scf.if %cond3A_97 {
        %add3A_239 = arith.constant 2 : i32
        %add3A_240 = arith.addi %add3A_57, %add3A_239 : i32
        %mul3A_241 = arith.constant 16 : i32
        %mul3A_242 = arith.muli %add3A_240, %mul3A_241 : i32
        %add3A_243 = arith.addi %mul3A_2, %mul3A_242 : i32
        %dma_wait3A_244 = tpu.memref_slice %arg3[%add3A_243] : memref<32768xi32, #tpu.memory_space<hbm>> -> memref<16xi32, #tpu.memory_space<hbm>>
        %dma_wait3A_245 = tpu.memref_slice %arg3[%add3A_243] : memref<32768xi32, #tpu.memory_space<hbm>> -> memref<16xi32, #tpu.memory_space<hbm>>
        tpu.wait_dma2 semaphore(%arg14 : memref<!tpu.dma_semaphore, #tpu.memory_space<semaphore_mem>>) src(%dma_wait3A_245 : memref<16xi32, #tpu.memory_space<hbm>>) dst(%arg6 : memref<16xi32, #tpu.memory_space<vmem>>)
        %dma_start3A_246 = arith.constant 0 : i32
        %dma_start3A_247 = arith.constant 0 : i32
        %dma_start3A_248 = tpu.memref_slice %arg4[%dma_start3A_246, %dma_start3A_247] : memref<8192x1024xf32, #tpu.memory_space<hbm>> -> memref<8192x1024xf32, #tpu.memory_space<hbm>>
        tpu.enqueue_indirect_dma source(%dma_start3A_248 : memref<8192x1024xf32, #tpu.memory_space<hbm>>) target(%arg8 : memref<16x1024xf32, #tpu.memory_space<vmem>>) offsets(%arg6 : memref<16xi32, #tpu.memory_space<vmem>>) semaphore(%arg16 : memref<!tpu.dma_semaphore, #tpu.memory_space<semaphore_mem>>)
      } else {
      }
      %add3A_98 = arith.constant 1 : i32
      %add3A_99 = arith.addi %add3A_55, %add3A_98 : i32
      %mul3A_100 = arith.constant 16 : i32
      %mul3A_101 = arith.muli %add3A_99, %mul3A_100 : i32
      %add3A_102 = arith.addi %mul3A_2, %mul3A_101 : i32
      %dma_wait3A_103 = arith.constant 0 : i32
      %dma_wait3A_104 = arith.constant 0 : i32
      %dma_wait3A_105 = tpu.memref_slice %arg4[%dma_wait3A_103, %dma_wait3A_104] : memref<8192x1024xf32, #tpu.memory_space<hbm>> -> memref<8192x1024xf32, #tpu.memory_space<hbm>>
      tpu.wait_indirect_dma semaphore(%arg17 : memref<!tpu.dma_semaphore, #tpu.memory_space<semaphore_mem>>) src(%dma_wait3A_105 : memref<8192x1024xf32, #tpu.memory_space<hbm>>) dst(%arg9 : memref<16x1024xf32, #tpu.memory_space<vmem>>)
      %dma_wait3A_106 = arith.constant 0 : i32
      %dma_wait3A_107 = tpu.memref_slice %arg2[%add3A_102, %dma_wait3A_106] : memref<32768x1024xf32, #tpu.memory_space<hbm>> -> memref<16x1024xf32, #tpu.memory_space<hbm>>
      %dma_wait3A_108 = arith.constant 0 : i32
      %dma_wait3A_109 = tpu.memref_slice %arg2[%add3A_102, %dma_wait3A_108] : memref<32768x1024xf32, #tpu.memory_space<hbm>> -> memref<16x1024xf32, #tpu.memory_space<hbm>>
      tpu.wait_dma2 semaphore(%arg19 : memref<!tpu.dma_semaphore, #tpu.memory_space<semaphore_mem>>) src(%dma_wait3A_109 : memref<16x1024xf32, #tpu.memory_space<hbm>>) dst(%arg11 : memref<16x1024xf32, #tpu.memory_space<vmem>>)
      %add3A_110 = arith.constant 2 : i32
      %add3A_111 = arith.addi %add3A_99, %add3A_110 : i32
      %lt3A_112 = arith.constant 64 : i32
      %lt3A_113 = arith.cmpi slt, %add3A_111, %lt3A_112 : i32
      %convert_element_type3A_114 = arith.extui %lt3A_113 : i1 to i32
      %cond3A_115 = arith.constant 0 : i32
      %cond3A_116 = arith.cmpi ne, %convert_element_type3A_114, %cond3A_115 : i32
      scf.if %cond3A_116 {
        %add3A_239 = arith.constant 2 : i32
        %add3A_240 = arith.addi %add3A_99, %add3A_239 : i32
        %mul3A_241 = arith.constant 16 : i32
        %mul3A_242 = arith.muli %add3A_240, %mul3A_241 : i32
        %add3A_243 = arith.addi %mul3A_2, %mul3A_242 : i32
        %dma_start3A_244 = tpu.memref_slice %arg3[%add3A_243] : memref<32768xi32, #tpu.memory_space<hbm>> -> memref<16xi32, #tpu.memory_space<hbm>>
        %dma_start3A_245 = tpu.memref_slice %arg3[%add3A_243] : memref<32768xi32, #tpu.memory_space<hbm>> -> memref<16xi32, #tpu.memory_space<hbm>>
        tpu.enqueue_dma source(%dma_start3A_245 : memref<16xi32, #tpu.memory_space<hbm>>) target(%arg7 : memref<16xi32, #tpu.memory_space<vmem>>) target_semaphore(%arg15 : memref<!tpu.dma_semaphore, #tpu.memory_space<semaphore_mem>>)
      } else {
      }
      %add3A_117 = arith.constant 32 : i32
      %add3A_118 = arith.addi %add3A_102, %add3A_117 : i32
      %ge3A_119 = arith.constant 2 : i32
      %ge3A_120 = arith.cmpi sge, %add3A_99, %ge3A_119 : i32
      %convert_element_type3A_121 = arith.extui %ge3A_120 : i1 to i32
      %cond3A_122 = arith.constant 0 : i32
      %cond3A_123 = arith.cmpi ne, %convert_element_type3A_121, %cond3A_122 : i32
      scf.if %cond3A_123 {
        %sub3A = arith.constant 32 : i32
        %sub3A_239 = arith.subi %add3A_102, %sub3A : i32
        %dma_wait3A_240 = arith.constant 0 : i32
        %dma_wait3A_241 = tpu.memref_slice %arg5[%sub3A_239, %dma_wait3A_240] : memref<32768x1024xf32, #tpu.memory_space<hbm>> -> memref<16x1024xf32, #tpu.memory_space<hbm>>
        %dma_wait3A_242 = arith.constant 0 : i32
        %dma_wait3A_243 = tpu.memref_slice %arg5[%sub3A_239, %dma_wait3A_242] : memref<32768x1024xf32, #tpu.memory_space<hbm>> -> memref<16x1024xf32, #tpu.memory_space<hbm>>
        tpu.wait_dma2 semaphore(%arg25 : memref<!tpu.dma_semaphore, #tpu.memory_space<semaphore_mem>>) src(%arg13 : memref<16x1024xf32, #tpu.memory_space<vmem>>) dst(%dma_wait3A_243 : memref<16x1024xf32, #tpu.memory_space<hbm>>)
      } else {
      }
      %add3A_124 = arith.constant 2 : i32
      %add3A_125 = arith.addi %add3A_99, %add3A_124 : i32
      %lt3A_126 = arith.constant 64 : i32
      %lt3A_127 = arith.cmpi slt, %add3A_125, %lt3A_126 : i32
      %convert_element_type3A_128 = arith.extui %lt3A_127 : i1 to i32
      %cond3A_129 = arith.constant 0 : i32
      %cond3A_130 = arith.cmpi ne, %convert_element_type3A_128, %cond3A_129 : i32
      scf.if %cond3A_130 {
        %dma_start3A_239 = arith.constant 0 : i32
        %dma_start3A_240 = tpu.memref_slice %arg2[%add3A_118, %dma_start3A_239] : memref<32768x1024xf32, #tpu.memory_space<hbm>> -> memref<16x1024xf32, #tpu.memory_space<hbm>>
        %dma_start3A_241 = arith.constant 0 : i32
        %dma_start3A_242 = tpu.memref_slice %arg2[%add3A_118, %dma_start3A_241] : memref<32768x1024xf32, #tpu.memory_space<hbm>> -> memref<16x1024xf32, #tpu.memory_space<hbm>>
        tpu.enqueue_dma source(%dma_start3A_242 : memref<16x1024xf32, #tpu.memory_space<hbm>>) target(%arg13 : memref<16x1024xf32, #tpu.memory_space<vmem>>) target_semaphore(%arg21 : memref<!tpu.dma_semaphore, #tpu.memory_space<semaphore_mem>>)
      } else {
      }
      %parallel_loop3A_131 = arith.constant 0 : i32
      %parallel_loop3A_132 = arith.constant 1024 : i32
      %parallel_loop3A_133 = arith.constant 1 : i32
      scf.for %parallel_loop3A_239 = %parallel_loop3A_131 to %parallel_loop3A_132 step %parallel_loop3A_133  : i32 {
        %parallel_loop3A_240 = arith.constant 6 : i32
        %parallel_loop3A_241 = arith.shrui %parallel_loop3A_239, %parallel_loop3A_240 : i32
        %parallel_loop3A_242 = arith.constant 63 : i32
        %parallel_loop3A_243 = arith.andi %parallel_loop3A_239, %parallel_loop3A_242 : i32
        %parallel_loop3A_244 = arith.constant 16 : i32
        %parallel_loop3A_245 = arith.muli %parallel_loop3A_243, %parallel_loop3A_244 : i32
        %parallel_loop3A_246 = arith.index_cast %parallel_loop3A_241 : i32 to index
        %parallel_loop3A_247 = arith.index_cast %parallel_loop3A_245 : i32 to index
        %parallel_loop3A_248 = tpu.vector_load %arg9[%parallel_loop3A_246, %parallel_loop3A_247] {strides = array<i32>} : memref<16x1024xf32, #tpu.memory_space<vmem>>, vector<1x16xf32>,
        %parallel_loop3A_249 = vector.shape_cast %parallel_loop3A_248 : vector<1x16xf32> to vector<16xf32>
        %parallel_loop3A_250 = arith.index_cast %parallel_loop3A_241 : i32 to index
        %parallel_loop3A_251 = arith.index_cast %parallel_loop3A_245 : i32 to index
        %parallel_loop3A_252 = tpu.vector_load %arg11[%parallel_loop3A_250, %parallel_loop3A_251] {strides = array<i32>} : memref<16x1024xf32, #tpu.memory_space<vmem>>, vector<1x16xf32>,
        %parallel_loop3A_253 = vector.shape_cast %parallel_loop3A_252 : vector<1x16xf32> to vector<16xf32>
        %parallel_loop3A_254 = vector.shape_cast %parallel_loop3A_249 : vector<16xf32> to vector<1x16xf32>
        tpu.vector_store %arg11[%parallel_loop3A_250, %parallel_loop3A_251], %parallel_loop3A_254 {add = true, strides = array<i32>} : memref<16x1024xf32, #tpu.memory_space<vmem>>, vector<1x16xf32>,
      } {sc.loop_unroll_factor = 8 : i64, sc.parallel_access}
      %dma_start3A_134 = arith.constant 0 : i32
      %dma_start3A_135 = tpu.memref_slice %arg5[%add3A_102, %dma_start3A_134] : memref<32768x1024xf32, #tpu.memory_space<hbm>> -> memref<16x1024xf32, #tpu.memory_space<hbm>>
      %dma_start3A_136 = arith.constant 0 : i32
      %dma_start3A_137 = tpu.memref_slice %arg5[%add3A_102, %dma_start3A_136] : memref<32768x1024xf32, #tpu.memory_space<hbm>> -> memref<16x1024xf32, #tpu.memory_space<hbm>>
      tpu.enqueue_dma source(%arg11 : memref<16x1024xf32, #tpu.memory_space<vmem>>) target(%dma_start3A_137 : memref<16x1024xf32, #tpu.memory_space<hbm>>) target_semaphore(%arg23 : memref<!tpu.dma_semaphore, #tpu.memory_space<semaphore_mem>>)
      %add3A_138 = arith.constant 2 : i32
      %add3A_139 = arith.addi %add3A_99, %add3A_138 : i32
      %lt3A_140 = arith.constant 64 : i32
      %lt3A_141 = arith.cmpi slt, %add3A_139, %lt3A_140 : i32
      %convert_element_type3A_142 = arith.extui %lt3A_141 : i1 to i32
      %cond3A_143 = arith.constant 0 : i32
      %cond3A_144 = arith.cmpi ne, %convert_element_type3A_142, %cond3A_143 : i32
      scf.if %cond3A_144 {
        %add3A_239 = arith.constant 2 : i32
        %add3A_240 = arith.addi %add3A_99, %add3A_239 : i32
        %mul3A_241 = arith.constant 16 : i32
        %mul3A_242 = arith.muli %add3A_240, %mul3A_241 : i32
        %add3A_243 = arith.addi %mul3A_2, %mul3A_242 : i32
        %dma_wait3A_244 = tpu.memref_slice %arg3[%add3A_243] : memref<32768xi32, #tpu.memory_space<hbm>> -> memref<16xi32, #tpu.memory_space<hbm>>
        %dma_wait3A_245 = tpu.memref_slice %arg3[%add3A_243] : memref<32768xi32, #tpu.memory_space<hbm>> -> memref<16xi32, #tpu.memory_space<hbm>>
        tpu.wait_dma2 semaphore(%arg15 : memref<!tpu.dma_semaphore, #tpu.memory_space<semaphore_mem>>) src(%dma_wait3A_245 : memref<16xi32, #tpu.memory_space<hbm>>) dst(%arg7 : memref<16xi32, #tpu.memory_space<vmem>>)
        %dma_start3A_246 = arith.constant 0 : i32
        %dma_start3A_247 = arith.constant 0 : i32
        %dma_start3A_248 = tpu.memref_slice %arg4[%dma_start3A_246, %dma_start3A_247] : memref<8192x1024xf32, #tpu.memory_space<hbm>> -> memref<8192x1024xf32, #tpu.memory_space<hbm>>
        tpu.enqueue_indirect_dma source(%dma_start3A_248 : memref<8192x1024xf32, #tpu.memory_space<hbm>>) target(%arg9 : memref<16x1024xf32, #tpu.memory_space<vmem>>) offsets(%arg7 : memref<16xi32, #tpu.memory_space<vmem>>) semaphore(%arg17 : memref<!tpu.dma_semaphore, #tpu.memory_space<semaphore_mem>>)
      } else {
      }
      %add3A_145 = arith.constant 2 : i32
      %add3A_146 = arith.addi %add3A_55, %add3A_145 : i32
      %mul3A_147 = arith.constant 16 : i32
      %mul3A_148 = arith.muli %add3A_146, %mul3A_147 : i32
      %add3A_149 = arith.addi %mul3A_2, %mul3A_148 : i32
      %dma_wait3A_150 = arith.constant 0 : i32
      %dma_wait3A_151 = arith.constant 0 : i32
      %dma_wait3A_152 = tpu.memref_slice %arg4[%dma_wait3A_150, %dma_wait3A_151] : memref<8192x1024xf32, #tpu.memory_space<hbm>> -> memref<8192x1024xf32, #tpu.memory_space<hbm>>
      tpu.wait_indirect_dma semaphore(%arg16 : memref<!tpu.dma_semaphore, #tpu.memory_space<semaphore_mem>>) src(%dma_wait3A_152 : memref<8192x1024xf32, #tpu.memory_space<hbm>>) dst(%arg8 : memref<16x1024xf32, #tpu.memory_space<vmem>>)
      %dma_wait3A_153 = arith.constant 0 : i32
      %dma_wait3A_154 = tpu.memref_slice %arg2[%add3A_149, %dma_wait3A_153] : memref<32768x1024xf32, #tpu.memory_space<hbm>> -> memref<16x1024xf32, #tpu.memory_space<hbm>>
      %dma_wait3A_155 = arith.constant 0 : i32
      %dma_wait3A_156 = tpu.memref_slice %arg2[%add3A_149, %dma_wait3A_155] : memref<32768x1024xf32, #tpu.memory_space<hbm>> -> memref<16x1024xf32, #tpu.memory_space<hbm>>
      tpu.wait_dma2 semaphore(%arg20 : memref<!tpu.dma_semaphore, #tpu.memory_space<semaphore_mem>>) src(%dma_wait3A_156 : memref<16x1024xf32, #tpu.memory_space<hbm>>) dst(%arg12 : memref<16x1024xf32, #tpu.memory_space<vmem>>)
      %add3A_157 = arith.constant 2 : i32
      %add3A_158 = arith.addi %add3A_146, %add3A_157 : i32
      %lt3A_159 = arith.constant 64 : i32
      %lt3A_160 = arith.cmpi slt, %add3A_158, %lt3A_159 : i32
      %convert_element_type3A_161 = arith.extui %lt3A_160 : i1 to i32
      %cond3A_162 = arith.constant 0 : i32
      %cond3A_163 = arith.cmpi ne, %convert_element_type3A_161, %cond3A_162 : i32
      scf.if %cond3A_163 {
        %add3A_239 = arith.constant 2 : i32
        %add3A_240 = arith.addi %add3A_146, %add3A_239 : i32
        %mul3A_241 = arith.constant 16 : i32
        %mul3A_242 = arith.muli %add3A_240, %mul3A_241 : i32
        %add3A_243 = arith.addi %mul3A_2, %mul3A_242 : i32
        %dma_start3A_244 = tpu.memref_slice %arg3[%add3A_243] : memref<32768xi32, #tpu.memory_space<hbm>> -> memref<16xi32, #tpu.memory_space<hbm>>
        %dma_start3A_245 = tpu.memref_slice %arg3[%add3A_243] : memref<32768xi32, #tpu.memory_space<hbm>> -> memref<16xi32, #tpu.memory_space<hbm>>
        tpu.enqueue_dma source(%dma_start3A_245 : memref<16xi32, #tpu.memory_space<hbm>>) target(%arg6 : memref<16xi32, #tpu.memory_space<vmem>>) target_semaphore(%arg14 : memref<!tpu.dma_semaphore, #tpu.memory_space<semaphore_mem>>)
      } else {
      }
      %add3A_164 = arith.constant 32 : i32
      %add3A_165 = arith.addi %add3A_149, %add3A_164 : i32
      %ge3A_166 = arith.constant 2 : i32
      %ge3A_167 = arith.cmpi sge, %add3A_146, %ge3A_166 : i32
      %convert_element_type3A_168 = arith.extui %ge3A_167 : i1 to i32
      %cond3A_169 = arith.constant 0 : i32
      %cond3A_170 = arith.cmpi ne, %convert_element_type3A_168, %cond3A_169 : i32
      scf.if %cond3A_170 {
        %sub3A = arith.constant 32 : i32
        %sub3A_239 = arith.subi %add3A_149, %sub3A : i32
        %dma_wait3A_240 = arith.constant 0 : i32
        %dma_wait3A_241 = tpu.memref_slice %arg5[%sub3A_239, %dma_wait3A_240] : memref<32768x1024xf32, #tpu.memory_space<hbm>> -> memref<16x1024xf32, #tpu.memory_space<hbm>>
        %dma_wait3A_242 = arith.constant 0 : i32
        %dma_wait3A_243 = tpu.memref_slice %arg5[%sub3A_239, %dma_wait3A_242] : memref<32768x1024xf32, #tpu.memory_space<hbm>> -> memref<16x1024xf32, #tpu.memory_space<hbm>>
        tpu.wait_dma2 semaphore(%arg22 : memref<!tpu.dma_semaphore, #tpu.memory_space<semaphore_mem>>) src(%arg10 : memref<16x1024xf32, #tpu.memory_space<vmem>>) dst(%dma_wait3A_243 : memref<16x1024xf32, #tpu.memory_space<hbm>>)
      } else {
      }
      %add3A_171 = arith.constant 2 : i32
      %add3A_172 = arith.addi %add3A_146, %add3A_171 : i32
      %lt3A_173 = arith.constant 64 : i32
      %lt3A_174 = arith.cmpi slt, %add3A_172, %lt3A_173 : i32
      %convert_element_type3A_175 = arith.extui %lt3A_174 : i1 to i32
      %cond3A_176 = arith.constant 0 : i32
      %cond3A_177 = arith.cmpi ne, %convert_element_type3A_175, %cond3A_176 : i32
      scf.if %cond3A_177 {
        %dma_start3A_239 = arith.constant 0 : i32
        %dma_start3A_240 = tpu.memref_slice %arg2[%add3A_165, %dma_start3A_239] : memref<32768x1024xf32, #tpu.memory_space<hbm>> -> memref<16x1024xf32, #tpu.memory_space<hbm>>
        %dma_start3A_241 = arith.constant 0 : i32
        %dma_start3A_242 = tpu.memref_slice %arg2[%add3A_165, %dma_start3A_241] : memref<32768x1024xf32, #tpu.memory_space<hbm>> -> memref<16x1024xf32, #tpu.memory_space<hbm>>
        tpu.enqueue_dma source(%dma_start3A_242 : memref<16x1024xf32, #tpu.memory_space<hbm>>) target(%arg10 : memref<16x1024xf32, #tpu.memory_space<vmem>>) target_semaphore(%arg18 : memref<!tpu.dma_semaphore, #tpu.memory_space<semaphore_mem>>)
      } else {
      }
      %parallel_loop3A_178 = arith.constant 0 : i32
      %parallel_loop3A_179 = arith.constant 1024 : i32
      %parallel_loop3A_180 = arith.constant 1 : i32
      scf.for %parallel_loop3A_239 = %parallel_loop3A_178 to %parallel_loop3A_179 step %parallel_loop3A_180  : i32 {
        %parallel_loop3A_240 = arith.constant 6 : i32
        %parallel_loop3A_241 = arith.shrui %parallel_loop3A_239, %parallel_loop3A_240 : i32
        %parallel_loop3A_242 = arith.constant 63 : i32
        %parallel_loop3A_243 = arith.andi %parallel_loop3A_239, %parallel_loop3A_242 : i32
        %parallel_loop3A_244 = arith.constant 16 : i32
        %parallel_loop3A_245 = arith.muli %parallel_loop3A_243, %parallel_loop3A_244 : i32
        %parallel_loop3A_246 = arith.index_cast %parallel_loop3A_241 : i32 to index
        %parallel_loop3A_247 = arith.index_cast %parallel_loop3A_245 : i32 to index
        %parallel_loop3A_248 = tpu.vector_load %arg8[%parallel_loop3A_246, %parallel_loop3A_247] {strides = array<i32>} : memref<16x1024xf32, #tpu.memory_space<vmem>>, vector<1x16xf32>,
        %parallel_loop3A_249 = vector.shape_cast %parallel_loop3A_248 : vector<1x16xf32> to vector<16xf32>
        %parallel_loop3A_250 = arith.index_cast %parallel_loop3A_241 : i32 to index
        %parallel_loop3A_251 = arith.index_cast %parallel_loop3A_245 : i32 to index
        %parallel_loop3A_252 = tpu.vector_load %arg12[%parallel_loop3A_250, %parallel_loop3A_251] {strides = array<i32>} : memref<16x1024xf32, #tpu.memory_space<vmem>>, vector<1x16xf32>,
        %parallel_loop3A_253 = vector.shape_cast %parallel_loop3A_252 : vector<1x16xf32> to vector<16xf32>
        %parallel_loop3A_254 = vector.shape_cast %parallel_loop3A_249 : vector<16xf32> to vector<1x16xf32>
        tpu.vector_store %arg12[%parallel_loop3A_250, %parallel_loop3A_251], %parallel_loop3A_254 {add = true, strides = array<i32>} : memref<16x1024xf32, #tpu.memory_space<vmem>>, vector<1x16xf32>,
      } {sc.loop_unroll_factor = 8 : i64, sc.parallel_access}
      %dma_start3A_181 = arith.constant 0 : i32
      %dma_start3A_182 = tpu.memref_slice %arg5[%add3A_149, %dma_start3A_181] : memref<32768x1024xf32, #tpu.memory_space<hbm>> -> memref<16x1024xf32, #tpu.memory_space<hbm>>
      %dma_start3A_183 = arith.constant 0 : i32
      %dma_start3A_184 = tpu.memref_slice %arg5[%add3A_149, %dma_start3A_183] : memref<32768x1024xf32, #tpu.memory_space<hbm>> -> memref<16x1024xf32, #tpu.memory_space<hbm>>
      tpu.enqueue_dma source(%arg12 : memref<16x1024xf32, #tpu.memory_space<vmem>>) target(%dma_start3A_184 : memref<16x1024xf32, #tpu.memory_space<hbm>>) target_semaphore(%arg24 : memref<!tpu.dma_semaphore, #tpu.memory_space<semaphore_mem>>)
      %add3A_185 = arith.constant 2 : i32
      %add3A_186 = arith.addi %add3A_146, %add3A_185 : i32
      %lt3A_187 = arith.constant 64 : i32
      %lt3A_188 = arith.cmpi slt, %add3A_186, %lt3A_187 : i32
      %convert_element_type3A_189 = arith.extui %lt3A_188 : i1 to i32
      %cond3A_190 = arith.constant 0 : i32
      %cond3A_191 = arith.cmpi ne, %convert_element_type3A_189, %cond3A_190 : i32
      scf.if %cond3A_191 {
        %add3A_239 = arith.constant 2 : i32
        %add3A_240 = arith.addi %add3A_146, %add3A_239 : i32
        %mul3A_241 = arith.constant 16 : i32
        %mul3A_242 = arith.muli %add3A_240, %mul3A_241 : i32
        %add3A_243 = arith.addi %mul3A_2, %mul3A_242 : i32
        %dma_wait3A_244 = tpu.memref_slice %arg3[%add3A_243] : memref<32768xi32, #tpu.memory_space<hbm>> -> memref<16xi32, #tpu.memory_space<hbm>>
        %dma_wait3A_245 = tpu.memref_slice %arg3[%add3A_243] : memref<32768xi32, #tpu.memory_space<hbm>> -> memref<16xi32, #tpu.memory_space<hbm>>
        tpu.wait_dma2 semaphore(%arg14 : memref<!tpu.dma_semaphore, #tpu.memory_space<semaphore_mem>>) src(%dma_wait3A_245 : memref<16xi32, #tpu.memory_space<hbm>>) dst(%arg6 : memref<16xi32, #tpu.memory_space<vmem>>)
        %dma_start3A_246 = arith.constant 0 : i32
        %dma_start3A_247 = arith.constant 0 : i32
        %dma_start3A_248 = tpu.memref_slice %arg4[%dma_start3A_246, %dma_start3A_247] : memref<8192x1024xf32, #tpu.memory_space<hbm>> -> memref<8192x1024xf32, #tpu.memory_space<hbm>>
        tpu.enqueue_indirect_dma source(%dma_start3A_248 : memref<8192x1024xf32, #tpu.memory_space<hbm>>) target(%arg8 : memref<16x1024xf32, #tpu.memory_space<vmem>>) offsets(%arg6 : memref<16xi32, #tpu.memory_space<vmem>>) semaphore(%arg16 : memref<!tpu.dma_semaphore, #tpu.memory_space<semaphore_mem>>)
      } else {
      }
      %add3A_192 = arith.constant 3 : i32
      %add3A_193 = arith.addi %add3A_55, %add3A_192 : i32
      %mul3A_194 = arith.constant 16 : i32
      %mul3A_195 = arith.muli %add3A_193, %mul3A_194 : i32
      %add3A_196 = arith.addi %mul3A_2, %mul3A_195 : i32
      %dma_wait3A_197 = arith.constant 0 : i32
      %dma_wait3A_198 = arith.constant 0 : i32
      %dma_wait3A_199 = tpu.memref_slice %arg4[%dma_wait3A_197, %dma_wait3A_198] : memref<8192x1024xf32, #tpu.memory_space<hbm>> -> memref<8192x1024xf32, #tpu.memory_space<hbm>>
      tpu.wait_indirect_dma semaphore(%arg17 : memref<!tpu.dma_semaphore, #tpu.memory_space<semaphore_mem>>) src(%dma_wait3A_199 : memref<8192x1024xf32, #tpu.memory_space<hbm>>) dst(%arg9 : memref<16x1024xf32, #tpu.memory_space<vmem>>)
      %dma_wait3A_200 = arith.constant 0 : i32
      %dma_wait3A_201 = tpu.memref_slice %arg2[%add3A_196, %dma_wait3A_200] : memref<32768x1024xf32, #tpu.memory_space<hbm>> -> memref<16x1024xf32, #tpu.memory_space<hbm>>
      %dma_wait3A_202 = arith.constant 0 : i32
      %dma_wait3A_203 = tpu.memref_slice %arg2[%add3A_196, %dma_wait3A_202] : memref<32768x1024xf32, #tpu.memory_space<hbm>> -> memref<16x1024xf32, #tpu.memory_space<hbm>>
      tpu.wait_dma2 semaphore(%arg21 : memref<!tpu.dma_semaphore, #tpu.memory_space<semaphore_mem>>) src(%dma_wait3A_203 : memref<16x1024xf32, #tpu.memory_space<hbm>>) dst(%arg13 : memref<16x1024xf32, #tpu.memory_space<vmem>>)
      %add3A_204 = arith.constant 2 : i32
      %add3A_205 = arith.addi %add3A_193, %add3A_204 : i32
      %lt3A_206 = arith.constant 64 : i32
      %lt3A_207 = arith.cmpi slt, %add3A_205, %lt3A_206 : i32
      %convert_element_type3A_208 = arith.extui %lt3A_207 : i1 to i32
      %cond3A_209 = arith.constant 0 : i32
      %cond3A_210 = arith.cmpi ne, %convert_element_type3A_208, %cond3A_209 : i32
      scf.if %cond3A_210 {
        %add3A_239 = arith.constant 2 : i32
        %add3A_240 = arith.addi %add3A_193, %add3A_239 : i32
        %mul3A_241 = arith.constant 16 : i32
        %mul3A_242 = arith.muli %add3A_240, %mul3A_241 : i32
        %add3A_243 = arith.addi %mul3A_2, %mul3A_242 : i32
        %dma_start3A_244 = tpu.memref_slice %arg3[%add3A_243] : memref<32768xi32, #tpu.memory_space<hbm>> -> memref<16xi32, #tpu.memory_space<hbm>>
        %dma_start3A_245 = tpu.memref_slice %arg3[%add3A_243] : memref<32768xi32, #tpu.memory_space<hbm>> -> memref<16xi32, #tpu.memory_space<hbm>>
        tpu.enqueue_dma source(%dma_start3A_245 : memref<16xi32, #tpu.memory_space<hbm>>) target(%arg7 : memref<16xi32, #tpu.memory_space<vmem>>) target_semaphore(%arg15 : memref<!tpu.dma_semaphore, #tpu.memory_space<semaphore_mem>>)
      } else {
      }
      %add3A_211 = arith.constant 32 : i32
      %add3A_212 = arith.addi %add3A_196, %add3A_211 : i32
      %ge3A_213 = arith.constant 2 : i32
      %ge3A_214 = arith.cmpi sge, %add3A_193, %ge3A_213 : i32
      %convert_element_type3A_215 = arith.extui %ge3A_214 : i1 to i32
      %cond3A_216 = arith.constant 0 : i32
      %cond3A_217 = arith.cmpi ne, %convert_element_type3A_215, %cond3A_216 : i32
      scf.if %cond3A_217 {
        %sub3A = arith.constant 32 : i32
        %sub3A_239 = arith.subi %add3A_196, %sub3A : i32
        %dma_wait3A_240 = arith.constant 0 : i32
        %dma_wait3A_241 = tpu.memref_slice %arg5[%sub3A_239, %dma_wait3A_240] : memref<32768x1024xf32, #tpu.memory_space<hbm>> -> memref<16x1024xf32, #tpu.memory_space<hbm>>
        %dma_wait3A_242 = arith.constant 0 : i32
        %dma_wait3A_243 = tpu.memref_slice %arg5[%sub3A_239, %dma_wait3A_242] : memref<32768x1024xf32, #tpu.memory_space<hbm>> -> memref<16x1024xf32, #tpu.memory_space<hbm>>
        tpu.wait_dma2 semaphore(%arg23 : memref<!tpu.dma_semaphore, #tpu.memory_space<semaphore_mem>>) src(%arg11 : memref<16x1024xf32, #tpu.memory_space<vmem>>) dst(%dma_wait3A_243 : memref<16x1024xf32, #tpu.memory_space<hbm>>)
      } else {
      }
      %add3A_218 = arith.constant 2 : i32
      %add3A_219 = arith.addi %add3A_193, %add3A_218 : i32
      %lt3A_220 = arith.constant 64 : i32
      %lt3A_221 = arith.cmpi slt, %add3A_219, %lt3A_220 : i32
      %convert_element_type3A_222 = arith.extui %lt3A_221 : i1 to i32
      %cond3A_223 = arith.constant 0 : i32
      %cond3A_224 = arith.cmpi ne, %convert_element_type3A_222, %cond3A_223 : i32
      scf.if %cond3A_224 {
        %dma_start3A_239 = arith.constant 0 : i32
        %dma_start3A_240 = tpu.memref_slice %arg2[%add3A_212, %dma_start3A_239] : memref<32768x1024xf32, #tpu.memory_space<hbm>> -> memref<16x1024xf32, #tpu.memory_space<hbm>>
        %dma_start3A_241 = arith.constant 0 : i32
        %dma_start3A_242 = tpu.memref_slice %arg2[%add3A_212, %dma_start3A_241] : memref<32768x1024xf32, #tpu.memory_space<hbm>> -> memref<16x1024xf32, #tpu.memory_space<hbm>>
        tpu.enqueue_dma source(%dma_start3A_242 : memref<16x1024xf32, #tpu.memory_space<hbm>>) target(%arg11 : memref<16x1024xf32, #tpu.memory_space<vmem>>) target_semaphore(%arg19 : memref<!tpu.dma_semaphore, #tpu.memory_space<semaphore_mem>>)
      } else {
      }
      %parallel_loop3A_225 = arith.constant 0 : i32
      %parallel_loop3A_226 = arith.constant 1024 : i32
      %parallel_loop3A_227 = arith.constant 1 : i32
      scf.for %parallel_loop3A_239 = %parallel_loop3A_225 to %parallel_loop3A_226 step %parallel_loop3A_227  : i32 {
        %parallel_loop3A_240 = arith.constant 6 : i32
        %parallel_loop3A_241 = arith.shrui %parallel_loop3A_239, %parallel_loop3A_240 : i32
        %parallel_loop3A_242 = arith.constant 63 : i32
        %parallel_loop3A_243 = arith.andi %parallel_loop3A_239, %parallel_loop3A_242 : i32
        %parallel_loop3A_244 = arith.constant 16 : i32
        %parallel_loop3A_245 = arith.muli %parallel_loop3A_243, %parallel_loop3A_244 : i32
        %parallel_loop3A_246 = arith.index_cast %parallel_loop3A_241 : i32 to index
        %parallel_loop3A_247 = arith.index_cast %parallel_loop3A_245 : i32 to index
        %parallel_loop3A_248 = tpu.vector_load %arg9[%parallel_loop3A_246, %parallel_loop3A_247] {strides = array<i32>} : memref<16x1024xf32, #tpu.memory_space<vmem>>, vector<1x16xf32>,
        %parallel_loop3A_249 = vector.shape_cast %parallel_loop3A_248 : vector<1x16xf32> to vector<16xf32>
        %parallel_loop3A_250 = arith.index_cast %parallel_loop3A_241 : i32 to index
        %parallel_loop3A_251 = arith.index_cast %parallel_loop3A_245 : i32 to index
        %parallel_loop3A_252 = tpu.vector_load %arg13[%parallel_loop3A_250, %parallel_loop3A_251] {strides = array<i32>} : memref<16x1024xf32, #tpu.memory_space<vmem>>, vector<1x16xf32>,
        %parallel_loop3A_253 = vector.shape_cast %parallel_loop3A_252 : vector<1x16xf32> to vector<16xf32>
        %parallel_loop3A_254 = vector.shape_cast %parallel_loop3A_249 : vector<16xf32> to vector<1x16xf32>
        tpu.vector_store %arg13[%parallel_loop3A_250, %parallel_loop3A_251], %parallel_loop3A_254 {add = true, strides = array<i32>} : memref<16x1024xf32, #tpu.memory_space<vmem>>, vector<1x16xf32>,
      } {sc.loop_unroll_factor = 8 : i64, sc.parallel_access}
      %dma_start3A_228 = arith.constant 0 : i32
      %dma_start3A_229 = tpu.memref_slice %arg5[%add3A_196, %dma_start3A_228] : memref<32768x1024xf32, #tpu.memory_space<hbm>> -> memref<16x1024xf32, #tpu.memory_space<hbm>>
      %dma_start3A_230 = arith.constant 0 : i32
      %dma_start3A_231 = tpu.memref_slice %arg5[%add3A_196, %dma_start3A_230] : memref<32768x1024xf32, #tpu.memory_space<hbm>> -> memref<16x1024xf32, #tpu.memory_space<hbm>>
      tpu.enqueue_dma source(%arg13 : memref<16x1024xf32, #tpu.memory_space<vmem>>) target(%dma_start3A_231 : memref<16x1024xf32, #tpu.memory_space<hbm>>) target_semaphore(%arg25 : memref<!tpu.dma_semaphore, #tpu.memory_space<semaphore_mem>>)
      %add3A_232 = arith.constant 2 : i32
      %add3A_233 = arith.addi %add3A_193, %add3A_232 : i32
      %lt3A_234 = arith.constant 64 : i32
      %lt3A_235 = arith.cmpi slt, %add3A_233, %lt3A_234 : i32
      %convert_element_type3A_236 = arith.extui %lt3A_235 : i1 to i32
      %cond3A_237 = arith.constant 0 : i32
      %cond3A_238 = arith.cmpi ne, %convert_element_type3A_236, %cond3A_237 : i32
      scf.if %cond3A_238 {
        %add3A_239 = arith.constant 2 : i32
        %add3A_240 = arith.addi %add3A_193, %add3A_239 : i32
        %mul3A_241 = arith.constant 16 : i32
        %mul3A_242 = arith.muli %add3A_240, %mul3A_241 : i32
        %add3A_243 = arith.addi %mul3A_2, %mul3A_242 : i32
        %dma_wait3A_244 = tpu.memref_slice %arg3[%add3A_243] : memref<32768xi32, #tpu.memory_space<hbm>> -> memref<16xi32, #tpu.memory_space<hbm>>
        %dma_wait3A_245 = tpu.memref_slice %arg3[%add3A_243] : memref<32768xi32, #tpu.memory_space<hbm>> -> memref<16xi32, #tpu.memory_space<hbm>>
        tpu.wait_dma2 semaphore(%arg15 : memref<!tpu.dma_semaphore, #tpu.memory_space<semaphore_mem>>) src(%dma_wait3A_245 : memref<16xi32, #tpu.memory_space<hbm>>) dst(%arg7 : memref<16xi32, #tpu.memory_space<vmem>>)
        %dma_start3A_246 = arith.constant 0 : i32
        %dma_start3A_247 = arith.constant 0 : i32
        %dma_start3A_248 = tpu.memref_slice %arg4[%dma_start3A_246, %dma_start3A_247] : memref<8192x1024xf32, #tpu.memory_space<hbm>> -> memref<8192x1024xf32, #tpu.memory_space<hbm>>
        tpu.enqueue_indirect_dma source(%dma_start3A_248 : memref<8192x1024xf32, #tpu.memory_space<hbm>>) target(%arg9 : memref<16x1024xf32, #tpu.memory_space<vmem>>) offsets(%arg7 : memref<16xi32, #tpu.memory_space<vmem>>) semaphore(%arg17 : memref<!tpu.dma_semaphore, #tpu.memory_space<semaphore_mem>>)
      } else {
      }
    }
    %scan3A_38 = arith.constant 16 : i32
    %add3A_39 = arith.constant 992 : i32
    %add3A_40 = arith.addi %mul3A_2, %add3A_39 : i32
    %dma_wait3A_41 = arith.constant 0 : i32
    %dma_wait3A_42 = tpu.memref_slice %arg5[%add3A_40, %dma_wait3A_41] : memref<32768x1024xf32, #tpu.memory_space<hbm>> -> memref<16x1024xf32, #tpu.memory_space<hbm>>
    %dma_wait3A_43 = arith.constant 0 : i32
    %dma_wait3A_44 = tpu.memref_slice %arg5[%add3A_40, %dma_wait3A_43] : memref<32768x1024xf32, #tpu.memory_space<hbm>> -> memref<16x1024xf32, #tpu.memory_space<hbm>>
    tpu.wait_dma2 semaphore(%arg24 : memref<!tpu.dma_semaphore, #tpu.memory_space<semaphore_mem>>) src(%arg12 : memref<16x1024xf32, #tpu.memory_space<vmem>>) dst(%dma_wait3A_44 : memref<16x1024xf32, #tpu.memory_space<hbm>>)
    %add3A_45 = arith.constant 1008 : i32
    %add3A_46 = arith.addi %mul3A_2, %add3A_45 : i32
    %dma_wait3A_47 = arith.constant 0 : i32
    %dma_wait3A_48 = tpu.memref_slice %arg5[%add3A_46, %dma_wait3A_47] : memref<32768x1024xf32, #tpu.memory_space<hbm>> -> memref<16x1024xf32, #tpu.memory_space<hbm>>
    %dma_wait3A_49 = arith.constant 0 : i32
    %dma_wait3A_50 = tpu.memref_slice %arg5[%add3A_46, %dma_wait3A_49] : memref<32768x1024xf32, #tpu.memory_space<hbm>> -> memref<16x1024xf32, #tpu.memory_space<hbm>>
    tpu.wait_dma2 semaphore(%arg25 : memref<!tpu.dma_semaphore, #tpu.memory_space<semaphore_mem>>) src(%arg13 : memref<16x1024xf32, #tpu.memory_space<vmem>>) dst(%dma_wait3A_50 : memref<16x1024xf32, #tpu.memory_space<hbm>>)
    return
  }
}

</mosaic_0001>

<sc_bundles>
// kernel: kernel.3.cloned.1.call-start
scs
__scs_entry_jumppad:
0x0: {  	(pc) =	sbr.rel $0x88, $3  }
0x1: {  	(tag) =	ssettag $0x0;
	lr =	simm.s32 $0x1  }
0x2: {  	[smem:$0x3F9E] =	sst lr;
	_ =	strace $0xD0000000  }
0x3: {  	_ = 	snop  }
0x4: {  	_ = 	snop  }
0x5: {  	_ = 	snop  }
0x6: {  	_ = 	snop  }
0x7: {  	_ = 	snop  }
__scs_overlays_trampoline_lowered:
0x8: {  	[smem:$0x3FAD] =	sst s0  }
0x9: {  	[smem:$0x3FAE] =	sst s1  }
0xa: {  	[smem:$0x3FAF] =	sst s2  }
0xb: {  	[smem:$0x3FB0] =	sst s3  }
0xc: {  	[smem:$0x3FB1] =	sst s4  }
0xd: {  	[smem:$0x3FB2] =	sst s5  }
0xe: {  	[smem:$0x3FB3] =	sst s6  }
0xf: {  	[smem:$0x3FB4] =	sst s7  }
0x10: {  	[smem:$0x3FB5] =	sst s8  }
0x11: {  	[smem:$0x3FB6] =	sst s9;
	s0 =	simm.s32 @!p0 $0x0  }
0x12: {  	s1 =	sld [smem:$0x3F9C];
	s0 =	simm.s32 @p0 $0x1  }
0x13: {  	[smem:$0x3FB7] =	sst s0;
	s0 =	simm.s32 @!p1 $0x0  }
0x14: {  	s2 =	sld [smem:$0x3F9B];
	s0 =	simm.s32 @p1 $0x1  }
0x15: {  	[smem:$0x3FB8] =	sst s0;
	s0 =	simm.s32 @!p2 $0x0  }
0x16: {  	s3 =	sld [smem:$0x3FDB];
	s0 =	simm.s32 @p2 $0x1  }
0x17: {  	s4 =	simm.s32 $0x1BF5;
	[smem:$0x3FBA] =	sst s0  }
0x18: {  	s0 =	sld [smem:$0x3F9D];
	_ =	swait.ge [sflag:s4], $0x0  }
0x19: {  	s7 =	sld [smem:$0x3F9E]  }
0x1a: {  	s8 =	sadd.s32 $0xFFFFE003, lr  }
0x1b: {  	s9 =	sadd.s32 $0xFFFFFEF7, lr;
	s5 =	simm.s32 $0xFFFFFFFF;
	p2 =	slt.u32 s8, $0xFFFFF086  }
0x1c: {  	p1 =	slt.u32 s9, $0xF7A;
	s5 =	simm.s32 @!p2 $0x0  }
0x1d: {  	s5 =	simm.s32 @p1 $0x1;
	p0 =	seq.s32 s7, s2  }
0x1e: {  	s7 =	smul.u32 @!p0 $0xF7A, s2;
	p2 =	seq.s32 @!p0 s5, $0x0  }
0x1f: {  	s9 =	smul.u32 $0xF7A, s1;
	s8 =	simm.s32 @!p0 $0x1BF5;
	p2 =	por !p2, p0  }
0x20: {  	[sflag:s8] =	ssyncset.s32 @!p0 $0xFFFFF086;
	s6 =	sadd.s32 @!p0 s3, s7;
	s7 =	simm.s32 @!p0 $0x108  }
0x21: {  	s3 =	sadd.s32 s3, s9;
	s6 =	sadd.s32 @!p0 $0x88, s6;
	s7 =	simm.s32 @p2 $0x1082  }
0x22: {  	[simem:s7], [sflag:s8] =	dma.local @!p0 [hbm:s6], $0xF7A  }
0x23: {  	s9 =	sor.u32 $0xD0000000, s2;
	s6 =	simm.s32 $0x108;
	_ =	swait.ge @!p0 [sflag:s8], $0x0  }
0x24: {  	s3 =	sadd.s32 $0x88, s3;
	s6 =	simm.s32 @!p1 $0x1082;
	[sflag:s4] =	ssyncset.s32 $0xFFFFF086  }
0x25: {  	[simem:s6], [sflag:s4] =	dma.local [hbm:s3], $0xF7A  }
0x26: {  	[smem:$0x3F9E] =	sst s1;
	(tag) =	ssettag s2;
	_ =	strace s9  }
0x27: {  	s1 =	sld [smem:$0x3FAE]  }
0x28: {  	s2 =	sld [smem:$0x3FAF]  }
0x29: {  	s4 =	sld [smem:$0x3FB1]  }
0x2a: {  	p0 =	seq.s32 s5, $0x0;
	s5 =	sld [smem:$0x3FB2]  }
0x2b: {  	s6 =	sld [smem:$0x3FB3]  }
0x2c: {  	s7 =	sld [smem:$0x3FB4]  }
0x2d: {  	s3 =	simm.s32 $0x108;
	s8 =	sld [smem:$0x3FB5]  }
0x2e: {  	s3 =	simm.s32 @!p0 $0x1082;
	s9 =	sld [smem:$0x3FB6]  }
0x2f: {  	lr =	sadd.s32 s0, s3;
	s0 =	sld [smem:$0x3FAD]  }
0x30: {  	s3 =	sld [smem:$0x3FB0]  }
0x31: {  	[smem:$0x3FB9] =	sst s10  }
0x32: {  	s10 =	sld [smem:$0x3FB7];
	_ =	sdelay $0x3  }
0x33: {  	p0 =	seq.s32 s10, $0x1;
	s10 =	sld [smem:$0x3FB9];
	_ =	sdelay $0x3  }
0x34: {  	[smem:$0x3FB9] =	sst s10  }
0x35: {  	s10 =	sld [smem:$0x3FB8];
	_ =	sdelay $0x3  }
0x36: {  	p1 =	seq.s32 s10, $0x1;
	s10 =	sld [smem:$0x3FB9];
	_ =	sdelay $0x3  }
0x37: {  	[smem:$0x3FB9] =	sst s10  }
0x38: {  	s10 =	sld [smem:$0x3FBA]  }
0x39: {  	_ = 	snop;
	(pc) =	sbr.ind lr, $3  }
0x3a: {  	_ = 	snop  }
0x3b: {  	_ = 	snop  }
0x3c: {  	p2 =	seq.s32 s10, $0x1;
	s10 =	sld [smem:$0x3FB9]  }
0x3d: {  	_ =	shalt  }
0x3e: {  	_ =	shalt  }
0x3f: {  	_ =	shalt  }
0x40: {  	_ =	shalt  }
0x41: {  	_ =	shalt  }
0x42: {  	_ =	shalt  }
0x43: {  	_ =	shalt  }
0x44: {  	_ =	shalt  }
0x45: {  	_ =	shalt  }
0x46: {  	_ =	shalt  }
0x47: {  	_ =	shalt  }
0x48: {  	_ =	shalt  }
0x49: {  	_ =	shalt  }
0x4a: {  	_ =	shalt  }
0x4b: {  	_ =	shalt  }
0x4c: {  	_ =	shalt  }
0x4d: {  	_ =	shalt  }
0x4e: {  	_ =	shalt  }
0x4f: {  	_ =	shalt  }
0x50: {  	_ =	shalt  }
0x51: {  	_ =	shalt  }
0x52: {  	_ =	shalt  }
0x53: {  	_ =	shalt  }
0x54: {  	_ =	shalt  }
0x55: {  	_ =	shalt  }
0x56: {  	_ =	shalt  }
0x57: {  	_ =	shalt  }
0x58: {  	_ =	shalt  }
0x59: {  	_ =	shalt  }
0x5a: {  	_ =	shalt  }
0x5b: {  	_ =	shalt  }
0x5c: {  	_ =	shalt  }
0x5d: {  	_ =	shalt  }
0x5e: {  	_ =	shalt  }
0x5f: {  	_ =	shalt  }
0x60: {  	_ =	shalt  }
0x61: {  	_ =	shalt  }
0x62: {  	_ =	shalt  }
0x63: {  	_ =	shalt  }
0x64: {  	_ =	shalt  }
0x65: {  	_ =	shalt  }
0x66: {  	_ =	shalt  }
0x67: {  	_ =	shalt  }
0x68: {  	_ =	shalt  }
0x69: {  	_ =	shalt  }
0x6a: {  	_ =	shalt  }
0x6b: {  	_ =	shalt  }
0x6c: {  	_ =	shalt  }
0x6d: {  	_ =	shalt  }
0x6e: {  	_ =	shalt  }
0x6f: {  	_ =	shalt  }
0x70: {  	_ =	shalt  }
0x71: {  	_ =	shalt  }
0x72: {  	_ =	shalt  }
0x73: {  	_ =	shalt  }
0x74: {  	_ =	shalt  }
0x75: {  	_ =	shalt  }
0x76: {  	_ =	shalt  }
0x77: {  	_ =	shalt  }
0x78: {  	_ =	shalt  }
0x79: {  	_ =	shalt  }
0x7a: {  	_ =	shalt  }
0x7b: {  	_ =	shalt  }
0x7c: {  	_ =	shalt  }
0x7d: {  	_ =	shalt  }
0x7e: {  	_ =	shalt  }
0x7f: {  	_ =	shalt  }
0x80: {  	_ =	shalt  }
0x81: {  	_ =	shalt  }
0x82: {  	_ =	shalt  }
0x83: {  	_ =	shalt  }
0x84: {  	_ =	shalt  }
0x85: {  	_ =	shalt  }
0x86: {  	_ =	shalt  }
0x87: {  	_ =	shalt  }
.Lfunc_end0:
.L_simem_size_0:
called_computation_lowered:
.L_overlay_start_0:
0x88: {  	s2 =	sld [smem:$0x3FD9]  }
0x89: {  	s3 =	sld [smem:$0x3FFE];
	_ =	sdelay $0x1  }
0x8a: {  	s1 =	srdreg.scid  }
0x8b: {  	s0 =	sand.u32 $0x1, s1  }
0x8c: {  	s17 =	sshll.u32 s0, $0xA;
	s2 =	sadd.s32 s3, s2  }
0x8d: {  	s2 =	sadd.s32 s2, s17  }
0x8e: {  	[smem:$0x3FC5] =	sst s2  }
0x8f: {  	_ = 	snop  }
0x90: {  	s2 =	sld [smem:$0x3FC9]  }
0x91: {  	s18 =	sld [smem:$0x3FC7]  }
0x92: {  	s4 =	sld [smem:$0x3FD0];
	(tm) =	ssettm $0x1  }
0x93: {  	s5 =	sld [smem:$0x3FFB];
	_ =	sdelay $0x3  }
0x94: {  	_ =	strace s5  }
0x95: {  	s5 =	sld [smem:$0x3FFC];
	_ =	sdelay $0x3  }
0x96: {  	_ =	strace s5  }
0x97: {  	s5 =	sld [smem:$0x3FFD];
	_ =	sdelay $0x3  }
0x98: {  	_ =	strace s5  }
0x99: {  	_ =	strace $0x8FFFFFFF  }
0x9a: {  	s19 =	sld [smem:$0x3FDB];
	_ =	sdelay $0x1  }
0x9b: {  	s6 =	simm.s32 $_scs_section_size  }
0x9c: {  	s7 =	simm.s32 $_size__tile_overlayer_lowered;
	s8 =	simm.s32 $_tile_overlayer_lowered  }
0x9d: {  	s22 =	simm.s32 $0x1BFF;
	s21 =	sshll.u32 s8, $0x1;
	s5 =	sadd.s32 s6, s19  }
0x9e: {  	s9 =	simm.s32 $0x0;
	s20 =	sshll.u32 s7, $0x1;
	s7 =	sadd.s32 s21, s5  }
0x9f: {  	[timem:s9], [sflag:s22] =	dma.local [hbm:s7], s20  }
0xa0: {  	_ =	swait.ge [sflag:s22], s20  }
0xa1: {  	s6 =	ssub.s32 $0x0, s20;
	[sflag:s22] =	ssyncset.done $0x0  }
0xa2: {  	[sflag:s22] =	ssyncadd.s32 s6;
	_ =	sdelay $0x1  }
0xa3: {  	s23 =	simm.s32 $0x1B8B  }
0xa4: {  	_ =	swait.ge [sflag:s23], $0x1  }
0xa5: {  	[sflag:s23] =	ssyncset.done $0x0  }
0xa6: {  	s25 =	simm.s32 $0x1B8E;
	s24 =	sld [smem:$0x3FFE];
	[sflag:s23] =	ssyncadd.s32 $0xFFFFFFFF  }
0xa7: {  	s26 =	simm.s32 $execute0_lowered;
	[smem:$0x3FD2] =	sst s25  }
0xa8: {  	s7 =	sshll.u32 s26, $0x1;
	_ =	strace $0x80000046;
	[dreg:$0x1] =	wrdreg $0xFFFFFFFF  }
0xa9: {  	s28 =	simm.s32 $_size_execute0_lowered;
	s5 =	sadd.s32 s5, s7;
	[dreg:$0x0] =	wrdreg $0x0  }
0xaa: {  	s7 =	sshll.u32 s28, $0x1;
	[dreg:$0x2] =	wrdreg s5  }
0xab: {  	[dreg:$0x3] =	wrdreg s7  }
0xac: {  	[dreg:$0x4] =	wrdreg $0xC0  }
0xad: {  	_ =	task [dreg:s9], $0x5FFFF  }
0xae: {  	[dreg:$0x1] =	wrdreg $0xFFFFFFFF  }
0xaf: {  	[dreg:$0x0] =	wrdreg $0x60  }
0xb0: {  	[dreg:$0x2] =	wrdreg s2  }
0xb1: {  	[dreg:$0x3] =	wrdreg s24  }
0xb2: {  	[dreg:$0x4] =	wrdreg s18  }
0xb3: {  	[dreg:$0x5] =	wrdreg s4  }
0xb4: {  	[dreg:$0x6] =	wrdreg $0x9  }
0xb5: {  	_ =	task.clear_ibuf [dreg:s9], $0x7FFFF;
	_ =	strace $0x90000046  }
0xb6: {  	s29 =	simm.s32 $0x9;
	_ =	strace $0x80000048  }
0xb7: {  	_ =	swait.ge [sflag:s29], $0x1  }
0xb8: {  	[sflag:s29] =	ssyncadd.s32 $0xFFFFFFFF  }
0xb9: {  	_ =	strace $0x90000048  }
0xba: {  	_ =	sfence  }
0xbb: {  	s30 =	sld [smem:$0x0];
	_ =	sdelay $0x2  }
0xbc: {  	s31 =	sshll.u32 s1, $0xD;
	s1 =	sshrl.u32 s1, $0x2  }
0xbd: {  	s3 =	sand.u32 $0x4000, s31;
	s1 =	sadd.s32 s1, s30  }
0xbe: {  	s0 =	sor.u32 s3, s0;
	s1 =	sshll.u32 s1, $0x11  }
0xbf: {  	s0 =	sor.u32 s1, s0  }
0xc0: {  	s0 =	sadd.s32 $0x8F2B, s0  }
0xc1: {  	[sflag:s0] =	ssyncadd.remote.s32 $0x1  }
0xc2: {  	_ =	sfence.sel $0xFFFF  }
0xc3: {  	[dreg:$0x0] =	wrdreg $0xFFFFFFFF;
	(pc) =	sbr.abs _section_cstart, $3  }
0xc4: {  	[dreg:$0x1] =	wrdreg $0xFFFFFFFF  }
0xc5: {  	_ =	task.clear_ibuf [dreg:s9], $0x2FFFF;
	_ =	strace $0x9FFFFFFF  }
0xc6: {  	(tm) =	ssettm $0x7FFFFFFF  }
0xc7: {  	_ =	shalt  }
tec
execute0_lowered:
.L_overlay_start_1:
0x0: {  	(tag) =	ssettag $0x1  }
0x1: {  	s0 =	rddreg [dreg:$0x0]  }
0x2: {  	s3 =	rddreg [dreg:$0x1]  }
0x3: {  	s1 =	rddreg [dreg:$0x2]  }
0x4: {  	s2 =	rddreg [dreg:$0x3];
	s4 =	simm.s32 $0x0  }
0x5: {  	s5 =	srdreg.scid;
	s6 =	stileid.u32;
	s28 =	simm.s32 $0x4  }
0x6: {  	s29 =	simm.s32 $0x6;
	s30 =	simm.s32 $0x14100;
	s31 =	simm.s32 $0x7  }
0x7: {  	[smem:$0x7FF] =	sst s4;
	s5 =	sand.u32 $0x1, s5;
	s6 =	sshll.u32 s6, $0xB  }
0x8: {  	s9 =	sadd.s32 $0x200, s1;
	s10 =	sadd.s32 $0x300, s1;
	s16 =	sadd.s32 $0x1000, s0  }
0x9: {  	s7 =	ssub.s32 $0x2, s5;
	s5 =	sshll.u32 s5, $0xA;
	_ =	strace $0x80000047  }
0xa: {  	s8 =	sshrl.u32 s7, $0x1;
	s11 =	sor.u32 s5, s6;
	s6 =	sadd.s32 $0x400, s3  }
0xb: {  	s17 =	ssub.s32 s7, s8;
	s5 =	sshrl.u32 s11, $0x3;
	s8 =	sadd.s32 $0x100, s1  }
0xc: {  	s18 =	sshll.u32 s11, $0x7;
	s22 =	sor.u32 $0x20, s11;
	[dreg:$0x5] =	wrdreg s11  }
0xd: {  	s19 =	sor.u32 $0x10, s11;
	s23 =	sor.u32 $0x30, s11;
	[dreg:$0xa] =	wrdreg s22  }
0xe: {  	s24 =	sor.u32 $0x40, s11;
	s25 =	sor.u32 $0x50, s11;
	[dreg:$0xb] =	wrdreg s23  }
0xf: {  	s5 =	sadd.s32 s6, s5;
	s20 =	sshrl.u32 s19, $0x3;
	[dreg:$0xc] =	wrdreg s24  }
0x10: {  	s7 =	sshll.u32 s19, $0x7;
	[dreg:$0xd] =	wrdreg s25;
	s26 =	smax.u32 s17, $0x1  }
0x11: {  	s19 =	simm.s32 $0x4100;
	s22 =	simm.s32 $0x7900;
	s24 =	simm.s32 $0x3  }
.Ltmp0:
0x12: {  	s25 =	simm.s32 $0x5;
	[dreg:$0x6] =	wrdreg s5;
	(pc) =	sbr.rel .LBB2_1-.Ltmp0, $4  }
0x13: {  	s5 =	sadd.s32 s0, s18;
	s21 =	sadd.s32 s0, s7;
	[dreg:$0xe] =	wrdreg s26  }
0x14: {  	v2 =	vlaneseq.u32;
	s0 =	simm.s32 $0x2;
	s26 =	simm.s32 $0x10100;
	[dreg:$0x7] =	wrdreg s5  }
0x15: {  	vm0 =	vmmov $0xffff;
	v1 =	vshrl.u32 v2, $0x3;
	s7 =	simm.s32 $0x0;
	s5 =	sadd.s32 s6, s20;
	[dreg:$0x9] =	wrdreg s21  }
0x16: {  	v0 =	vand.u32 $0x7, v2;
	v2 =	vor.u32 $0x8, v2;
	v1 =	vmul.u32 $0x8, v1;
	s20 =	simm.s32 $0x1;
	s21 =	simm.s32 $0x7100;
	[dreg:$0x8] =	wrdreg s5  }
.LBB2_12:
0x17: {  	s3 =	simm.s32 $0xB  }
0x18: {  	_ =	swait.ge [sflag:s3], $0x4000  }
0x19: {  	[sflag:s3] =	ssyncset.done $0x0  }
0x1a: {  	s5 =	simm.s32 $0xC;
	[sflag:s3] =	ssyncadd.s32 $0xFFFFC000  }
0x1b: {  	_ =	swait.ge [sflag:s5], $0x4000  }
0x1c: {  	s7 =	rddreg [dreg:$0xf]  }
0x1d: {  	s23 =	rddreg [dreg:$0xe];
	s7 =	sadd.s32 $0x1, s7  }
0x1e: {  	p0 =	sne.s32 s7, s23  }
.Ltmp1:
0x1f: {  	_ = 	snop;
	(pc) =	sbr.rel @!p0 .LBB2_13-.Ltmp1, $3  }
0x20: {  	_ =	sdelay $0x1  }
0x21: {  	[sflag:s5] =	ssyncset.done $0x0  }
0x22: {  	[sflag:s5] =	ssyncadd.s32 $0xFFFFC000  }
.LBB2_1:
0x23: {  	[dreg:$0xf] =	wrdreg s7  }
0x24: {  	s3 =	rddreg [dreg:$0x6]  }
0x25: {  	[tilespmem:s4], [sflag:$0x1] =	stream.linear.gather [hbm4b:s3+s4], $0x10, $0x38;
	[tilespmem:$0x18100] =	vst v63  }
0x26: {  	_ =	swait.ge [sflag:s20], $0x10  }
0x27: {  	[sflag:s20] =	ssyncset.done $0x0  }
0x28: {  	[sflag:s20] =	ssyncadd.s32 $0xFFFFFFF0  }
0x29: {  	v3 =	vld [tilespmem:$0x0];
	_ =	sdelay $0x4  }
0x2a: {  	v4 =	vshll.u32 v3, $0x3  }
0x2b: {  	v3 =	vand.u32 $0x7, v3;
	v4 =	vand.u32 $0xFFFFFFC0, v4  }
0x2c: {  	v3 =	vor.u32 v3, v4  }
0x2d: {  	v4 =	vperm.xlane v3, v0;
	_ =	sdelay $0x1  }
0x2e: {  	v4 =	vadd.s32 v1, v4;
	_ =	sdelay $0x3  }
0x2f: {  	s12 =	simm.s32 $0x100  }
0x30: {  	[tilespmem:s12], [sflag:$0x3] =	stream.indirect_vreg.gather [hbm4b:s1+s4], $0x80, v4, vm0, $0xb8;
	[tilespmem:$0x18100] =	vst v63  }
0x31: {  	s13 =	simm.s32 $0x900;
	v3 =	vperm.xlane v3, v2  }
0x32: {  	[tilespmem:s13], [sflag:$0x3] =	stream.indirect_vreg.gather [hbm4b:s8+s4], $0x80, v4, vm0, $0xb8;
	[tilespmem:$0x18100] =	vst v63  }
0x33: {  	s14 =	simm.s32 $0x1100;
	v3 =	vadd.s32 v1, v3  }
0x34: {  	[tilespmem:s14], [sflag:$0x3] =	stream.indirect_vreg.gather [hbm4b:s9+s4], $0x80, v4, vm0, $0xb8;
	[tilespmem:$0x18100] =	vst v63  }
0x35: {  	s15 =	simm.s32 $0x1900  }
0x36: {  	[tilespmem:s15], [sflag:$0x3] =	stream.indirect_vreg.gather [hbm4b:s10+s4], $0x80, v4, vm0, $0xb8;
	[tilespmem:$0x18100] =	vst v63  }
0x37: {  	s17 =	simm.s32 $0x2100  }
0x38: {  	[tilespmem:s17], [sflag:$0x3] =	stream.indirect_vreg.gather [hbm4b:s1+s4], $0x80, v3, vm0, $0xb8;
	[tilespmem:$0x18100] =	vst v63  }
0x39: {  	s18 =	simm.s32 $0x2900  }
0x3a: {  	[tilespmem:s18], [sflag:$0x3] =	stream.indirect_vreg.gather [hbm4b:s8+s4], $0x80, v3, vm0, $0xb8;
	[tilespmem:$0x18100] =	vst v63  }
0x3b: {  	s23 =	simm.s32 $0x3100  }
0x3c: {  	[tilespmem:s23], [sflag:$0x3] =	stream.indirect_vreg.gather [hbm4b:s9+s4], $0x80, v3, vm0, $0xb8;
	[tilespmem:$0x18100] =	vst v63  }
0x3d: {  	s5 =	simm.s32 $0x3900  }
0x3e: {  	[tilespmem:s5], [sflag:$0x3] =	stream.indirect_vreg.gather [hbm4b:s10+s4], $0x80, v3, vm0, $0xb8;
	[tilespmem:$0x18100] =	vst v63  }
0x3f: {  	s7 =	rddreg [dreg:$0x7];
	s5 =	simm.s32 $0x8100  }
0x40: {  	[tilespmem:s5], [sflag:$0x5] =	stream.linear.gather [hbm4b:s7+s4], $0x4000, $0x38;
	[tilespmem:$0x18100] =	vst v63  }
0x41: {  	s11 =	rddreg [dreg:$0x8];
	s12 =	simm.s32 $0x80  }
0x42: {  	[tilespmem:s12], [sflag:$0x2] =	stream.linear.gather [hbm4b:s11+s4], $0x10, $0x38;
	[tilespmem:$0x18100] =	vst v63  }
0x43: {  	_ =	swait.ge [sflag:s0], $0x10  }
0x44: {  	[sflag:s0] =	ssyncset.done $0x0  }
0x45: {  	[sflag:s0] =	ssyncadd.s32 $0xFFFFFFF0  }
0x46: {  	v3 =	vld [tilespmem:$0x80];
	_ =	sdelay $0x4  }
0x47: {  	v63 =	vshll.u32 v3, $0x3  }
0x48: {  	v3 =	vand.u32 $0x7, v3;
	v4 =	vand.u32 $0xFFFFFFC0, v63  }
0x49: {  	v3 =	vor.u32 v3, v4  }
0x4a: {  	v4 =	vperm.xlane v3, v0;
	_ =	sdelay $0x1  }
0x4b: {  	v4 =	vadd.s32 v1, v4;
	_ =	sdelay $0x4  }
0x4c: {  	[tilespmem:s19], [sflag:$0x4] =	stream.indirect_vreg.gather [hbm4b:s1+s4], $0x80, v4, vm0, $0xb8;
	[tilespmem:$0x18100] =	vst v63  }
0x4d: {  	s13 =	simm.s32 $0x4900;
	v3 =	vperm.xlane v3, v2  }
0x4e: {  	[tilespmem:s13], [sflag:$0x4] =	stream.indirect_vreg.gather [hbm4b:s8+s4], $0x80, v4, vm0, $0xb8;
	[tilespmem:$0x18100] =	vst v63  }
0x4f: {  	s14 =	simm.s32 $0x5100;
	v3 =	vadd.s32 v1, v3  }
0x50: {  	[tilespmem:s14], [sflag:$0x4] =	stream.indirect_vreg.gather [hbm4b:s9+s4], $0x80, v4, vm0, $0xb8;
	[tilespmem:$0x18100] =	vst v63  }
0x51: {  	s15 =	simm.s32 $0x5900  }
0x52: {  	[tilespmem:s15], [sflag:$0x4] =	stream.indirect_vreg.gather [hbm4b:s10+s4], $0x80, v4, vm0, $0xb8;
	[tilespmem:$0x18100] =	vst v63  }
0x53: {  	s17 =	simm.s32 $0x6100  }
0x54: {  	[tilespmem:s17], [sflag:$0x4] =	stream.indirect_vreg.gather [hbm4b:s1+s4], $0x80, v3, vm0, $0xb8;
	[tilespmem:$0x18100] =	vst v63  }
0x55: {  	s18 =	simm.s32 $0x6900  }
0x56: {  	[tilespmem:s18], [sflag:$0x4] =	stream.indirect_vreg.gather [hbm4b:s8+s4], $0x80, v3, vm0, $0xb8;
	[tilespmem:$0x18100] =	vst v63  }
0x57: {  	_ = 	snop  }
0x58: {  	[tilespmem:s21], [sflag:$0x4] =	stream.indirect_vreg.gather [hbm4b:s9+s4], $0x80, v3, vm0, $0xb8;
	[tilespmem:$0x18100] =	vst v63  }
0x59: {  	_ = 	snop  }
0x5a: {  	[tilespmem:s22], [sflag:$0x4] =	stream.indirect_vreg.gather [hbm4b:s10+s4], $0x80, v3, vm0, $0xb8;
	[tilespmem:$0x18100] =	vst v63  }
0x5b: {  	s23 =	simm.s32 $0xC100;
	s19 =	rddreg [dreg:$0x9]  }
0x5c: {  	[tilespmem:s23], [sflag:$0x6] =	stream.linear.gather [hbm4b:s19+s4], $0x4000, $0x38;
	[tilespmem:$0x18100] =	vst v63  }
0x5d: {  	s23 =	simm.s32 $0x0  }
.LBB2_2:
0x5e: {  	_ =	swait.ge [sflag:s24], $0x4000  }
0x5f: {  	[sflag:s24] =	ssyncset.done $0x0  }
0x60: {  	[sflag:s24] =	ssyncadd.s32 $0xFFFFC000  }
0x61: {  	_ =	swait.ge [sflag:s25], $0x4000  }
0x62: {  	s5 =	sshll.u32 s23, $0x6;
	s3 =	rddreg [dreg:$0xa]  }
0x63: {  	s15 =	sadd.s32 s3, s5  }
0x64: {  	p0 =	seq.s32 s23, $0x0;
	[sflag:s25] =	ssyncset.done $0x0;
	s3 =	sshrl.u32 s15, $0x3  }
0x65: {  	s18 =	simm.s32 $0x0;
	[sflag:s25] =	ssyncadd.s32 $0xFFFFC000;
	s3 =	sadd.s32 s6, s3  }
0x66: {  	[tilespmem:s4], [sflag:$0x1] =	stream.linear.gather [hbm4b:s3+s4], $0x10, $0x38;
	[tilespmem:$0x18100] =	vst v63  }
0x67: {  	s19 =	sand.u32 $0x2000, s18;
	s7 =	rddreg [dreg:$0x5];
	s3 =	simm.s32 @!p0 $0xB  }
0x68: {  	s11 =	sand.u32 $0x1C00, s18;
	s7 =	sor.u32 s7, s5;
	_ =	swait.ge @!p0 [sflag:s3], $0x4000  }
0x69: {  	s17 =	sshll.u32 s7, $0x7;
	s7 =	sand.u32 $0x380, s18;
	[sflag:s3] =	ssyncset.done @!p0 $0x0  }
0x6a: {  	s14 =	sadd.s32 s17, s16;
	[sflag:s3] =	ssyncadd.s32 @!p0 $0xFFFFC000;
	s3 =	sor.u32 s11, s19  }
0x6b: {  	[tilespmem:s26], [sflag:$0x7] =	stream.linear.gather [hbm4b:s14+s18], $0x4000, $0x38;
	[tilespmem:$0x18100] =	vst v63  }
0x6c: {  	s14 =	sor.u32 s7, s3  }
0x6d: {  	v3 =	vld [tilespmem:s14+$0x170]  }
0x6e: {  	v6 =	vld [tilespmem:s14+$0x100]  }
0x6f: {  	v7 =	vld [tilespmem:s14+$0x110]  }
0x70: {  	v8 =	vld [tilespmem:s14+$0x120]  }
0x71: {  	v9 =	vld [tilespmem:s14+$0x130]  }
0x72: {  	v5 =	vld [tilespmem:s14+$0x140]  }
0x73: {  	v4 =	vld [tilespmem:s14+$0x160]  }
0x74: {  	[tilespmem:s14+$0x8170] =	vst.add.f32.msk $0xffff, v3  }
0x75: {  	v3 =	vld [tilespmem:s14+$0x150]  }
0x76: {  	[tilespmem:s14+$0x8100] =	vst.add.f32.msk $0xffff, v6  }
0x77: {  	[tilespmem:s14+$0x8110] =	vst.add.f32.msk $0xffff, v7  }
0x78: {  	s11 =	simm.s32 $0x80;
	[tilespmem:s14+$0x8120] =	vst.add.f32.msk $0xffff, v8  }
0x79: {  	s18 =	simm.s32 $0x0;
	s3 =	simm.s32 $0x10;
	s7 =	simm.s32 $0x400;
	[tilespmem:s14+$0x8130] =	vst.add.f32.msk $0xffff, v9  }
.LBB2_3:
0x7a: {  	s12 =	sand.u32 $0x2000, s11;
	s13 =	sand.u32 $0x1C00, s7;
	s18 =	sadd.s32 $0x8, s18;
	[tilespmem:s14+$0x8140] =	vst.add.f32.msk $0xffff, v5  }
0x7b: {  	s12 =	sor.u32 s13, s12;
	s13 =	sand.u32 $0x380, s3;
	p1 =	slt.u32 s18, $0x3F8;
	[tilespmem:s14+$0x8150] =	vst.add.f32.msk $0xffff, v3  }
0x7c: {  	[tilespmem:s14+$0x8160] =	vst.add.f32.msk $0xffff, v4;
	s14 =	sor.u32 s13, s12  }
0x7d: {  	v3 =	vld [tilespmem:s14+$0x170]  }
0x7e: {  	v6 =	vld [tilespmem:s14+$0x100]  }
0x7f: {  	v7 =	vld [tilespmem:s14+$0x110]  }
0x80: {  	v8 =	vld [tilespmem:s14+$0x120]  }
0x81: {  	v9 =	vld [tilespmem:s14+$0x130]  }
0x82: {  	[tilespmem:s14+$0x8170] =	vst.add.f32.msk $0xffff, v3  }
0x83: {  	v5 =	vld [tilespmem:s14+$0x140]  }
0x84: {  	v3 =	vld [tilespmem:s14+$0x150]  }
.Ltmp2:
0x85: {  	v4 =	vld [tilespmem:s14+$0x160];
	(pc) =	sbr.rel @p1 .LBB2_3-.Ltmp2, $4  }
0x86: {  	[tilespmem:s14+$0x8100] =	vst.add.f32.msk $0xffff, v6  }
0x87: {  	[tilespmem:s14+$0x8110] =	vst.add.f32.msk $0xffff, v7  }
0x88: {  	[tilespmem:s14+$0x8120] =	vst.add.f32.msk $0xffff, v8  }
0x89: {  	s7 =	sadd.s32 $0x400, s7;
	s11 =	sadd.s32 $0x80, s11;
	s3 =	sadd.s32 $0x10, s3;
	[tilespmem:s14+$0x8130] =	vst.add.f32.msk $0xffff, v9  }
0x8a: {  	[tilespmem:s14+$0x8140] =	vst.add.f32.msk $0xffff, v5  }
0x8b: {  	[tilespmem:s14+$0x8150] =	vst.add.f32.msk $0xffff, v3  }
0x8c: {  	[tilespmem:s14+$0x8160] =	vst.add.f32.msk $0xffff, v4;
	s3 =	sadd.s32 s2, s17;
	s7 =	simm.s32 $0x8100  }
0x8d: {  	[hbm4b:s3+s4] =	stream.linear.scatter [tilespmem:s7], [sflag:$0x9], $0x4000, $0x38;
	[tilespmem:$0x18100] =	vst v63  }
0x8e: {  	_ =	swait.ge [sflag:s20], $0x10  }
0x8f: {  	[sflag:s20] =	ssyncset.done $0x0  }
0x90: {  	[sflag:s20] =	ssyncadd.s32 $0xFFFFFFF0  }
0x91: {  	v3 =	vld [tilespmem:$0x0];
	_ =	sdelay $0x4  }
0x92: {  	v4 =	vshll.u32 v3, $0x3  }
0x93: {  	v3 =	vand.u32 $0x7, v3;
	v4 =	vand.u32 $0xFFFFFFC0, v4  }
0x94: {  	v3 =	vor.u32 v3, v4  }
0x95: {  	v4 =	vperm.xlane v3, v0;
	_ =	sdelay $0x1  }
0x96: {  	v4 =	vadd.s32 v1, v4;
	_ =	sdelay $0x3  }
0x97: {  	s7 =	simm.s32 $0x100  }
0x98: {  	[tilespmem:s7], [sflag:$0x3] =	stream.indirect_vreg.gather [hbm4b:s1+s4], $0x80, v4, vm0, $0xb8;
	[tilespmem:$0x18100] =	vst v63  }
0x99: {  	s11 =	simm.s32 $0x900;
	v3 =	vperm.xlane v3, v2  }
0x9a: {  	[tilespmem:s11], [sflag:$0x3] =	stream.indirect_vreg.gather [hbm4b:s8+s4], $0x80, v4, vm0, $0xb8;
	[tilespmem:$0x18100] =	vst v63  }
0x9b: {  	s12 =	simm.s32 $0x1100;
	v3 =	vadd.s32 v1, v3  }
0x9c: {  	[tilespmem:s12], [sflag:$0x3] =	stream.indirect_vreg.gather [hbm4b:s9+s4], $0x80, v4, vm0, $0xb8;
	[tilespmem:$0x18100] =	vst v63  }
0x9d: {  	s13 =	simm.s32 $0x1900  }
0x9e: {  	[tilespmem:s13], [sflag:$0x3] =	stream.indirect_vreg.gather [hbm4b:s10+s4], $0x80, v4, vm0, $0xb8;
	[tilespmem:$0x18100] =	vst v63  }
0x9f: {  	s14 =	simm.s32 $0x2100  }
0xa0: {  	[tilespmem:s14], [sflag:$0x3] =	stream.indirect_vreg.gather [hbm4b:s1+s4], $0x80, v3, vm0, $0xb8;
	[tilespmem:$0x18100] =	vst v63  }
0xa1: {  	s18 =	simm.s32 $0x2900  }
0xa2: {  	[tilespmem:s18], [sflag:$0x3] =	stream.indirect_vreg.gather [hbm4b:s8+s4], $0x80, v3, vm0, $0xb8;
	[tilespmem:$0x18100] =	vst v63  }
0xa3: {  	s19 =	simm.s32 $0x3100  }
0xa4: {  	[tilespmem:s19], [sflag:$0x3] =	stream.indirect_vreg.gather [hbm4b:s9+s4], $0x80, v3, vm0, $0xb8;
	[tilespmem:$0x18100] =	vst v63  }
0xa5: {  	s7 =	simm.s32 $0x3900  }
0xa6: {  	[tilespmem:s7], [sflag:$0x3] =	stream.indirect_vreg.gather [hbm4b:s10+s4], $0x80, v3, vm0, $0xb8;
	[tilespmem:$0x18100] =	vst v63  }
0xa7: {  	_ =	swait.ge [sflag:s28], $0x4000  }
0xa8: {  	[sflag:s28] =	ssyncset.done $0x0  }
0xa9: {  	[sflag:s28] =	ssyncadd.s32 $0xFFFFC000  }
0xaa: {  	_ =	swait.ge [sflag:s29], $0x4000  }
0xab: {  	s11 =	rddreg [dreg:$0xb]  }
0xac: {  	s14 =	sadd.s32 s11, s5  }
0xad: {  	[sflag:s29] =	ssyncset.done $0x0;
	s3 =	sshrl.u32 s14, $0x3  }
0xae: {  	s12 =	simm.s32 $0x80;
	[sflag:s29] =	ssyncadd.s32 $0xFFFFC000;
	s3 =	sadd.s32 s6, s3  }
0xaf: {  	[tilespmem:s12], [sflag:$0x2] =	stream.linear.gather [hbm4b:s3+s4], $0x10, $0x38;
	[tilespmem:$0x18100] =	vst v63  }
0xb0: {  	s17 =	sor.u32 $0x800, s17;
	s3 =	simm.s32 @!p0 $0xC  }
0xb1: {  	s13 =	sadd.s32 s17, s16;
	s18 =	simm.s32 $0x0;
	_ =	swait.ge @!p0 [sflag:s3], $0x4000  }
0xb2: {  	s19 =	sand.u32 $0x2000, s18;
	s11 =	sand.u32 $0x1C00, s18;
	[sflag:s3] =	ssyncset.done @!p0 $0x0  }
0xb3: {  	s7 =	sand.u32 $0x380, s18;
	[sflag:s3] =	ssyncadd.s32 @!p0 $0xFFFFC000;
	s3 =	sor.u32 s11, s19  }
0xb4: {  	[tilespmem:s30], [sflag:$0x8] =	stream.linear.gather [hbm4b:s13+s18], $0x4000, $0x38;
	[tilespmem:$0x18100] =	vst v63  }
0xb5: {  	s18 =	sor.u32 s7, s3  }
0xb6: {  	v3 =	vld [tilespmem:s18+$0x4170]  }
0xb7: {  	v6 =	vld [tilespmem:s18+$0x4100]  }
0xb8: {  	v7 =	vld [tilespmem:s18+$0x4110]  }
0xb9: {  	v8 =	vld [tilespmem:s18+$0x4120]  }
0xba: {  	v9 =	vld [tilespmem:s18+$0x4130]  }
0xbb: {  	v5 =	vld [tilespmem:s18+$0x4140]  }
0xbc: {  	v4 =	vld [tilespmem:s18+$0x4160]  }
0xbd: {  	[tilespmem:s18+$0xC170] =	vst.add.f32.msk $0xffff, v3  }
0xbe: {  	v3 =	vld [tilespmem:s18+$0x4150]  }
0xbf: {  	[tilespmem:s18+$0xC100] =	vst.add.f32.msk $0xffff, v6  }
0xc0: {  	[tilespmem:s18+$0xC110] =	vst.add.f32.msk $0xffff, v7  }
0xc1: {  	s12 =	simm.s32 $0x80;
	[tilespmem:s18+$0xC120] =	vst.add.f32.msk $0xffff, v8  }
0xc2: {  	s11 =	simm.s32 $0x400;
	s3 =	simm.s32 $0x0;
	s7 =	simm.s32 $0x10;
	[tilespmem:s18+$0xC130] =	vst.add.f32.msk $0xffff, v9  }
.LBB2_5:
0xc3: {  	s13 =	sand.u32 $0x2000, s12;
	s19 =	sand.u32 $0x1C00, s11;
	s3 =	sadd.s32 $0x8, s3;
	[tilespmem:s18+$0xC140] =	vst.add.f32.msk $0xffff, v5  }
0xc4: {  	s13 =	sor.u32 s19, s13;
	s19 =	sand.u32 $0x380, s7;
	p0 =	slt.u32 s3, $0x3F8;
	[tilespmem:s18+$0xC150] =	vst.add.f32.msk $0xffff, v3  }
0xc5: {  	[tilespmem:s18+$0xC160] =	vst.add.f32.msk $0xffff, v4;
	s18 =	sor.u32 s19, s13  }
0xc6: {  	v3 =	vld [tilespmem:s18+$0x4170]  }
0xc7: {  	v6 =	vld [tilespmem:s18+$0x4100]  }
0xc8: {  	v7 =	vld [tilespmem:s18+$0x4110]  }
0xc9: {  	v8 =	vld [tilespmem:s18+$0x4120]  }
0xca: {  	v9 =	vld [tilespmem:s18+$0x4130]  }
0xcb: {  	[tilespmem:s18+$0xC170] =	vst.add.f32.msk $0xffff, v3  }
0xcc: {  	v5 =	vld [tilespmem:s18+$0x4140]  }
0xcd: {  	v3 =	vld [tilespmem:s18+$0x4150]  }
.Ltmp3:
0xce: {  	v4 =	vld [tilespmem:s18+$0x4160];
	(pc) =	sbr.rel @p0 .LBB2_5-.Ltmp3, $4  }
0xcf: {  	[tilespmem:s18+$0xC100] =	vst.add.f32.msk $0xffff, v6  }
0xd0: {  	[tilespmem:s18+$0xC110] =	vst.add.f32.msk $0xffff, v7  }
0xd1: {  	[tilespmem:s18+$0xC120] =	vst.add.f32.msk $0xffff, v8  }
0xd2: {  	s11 =	sadd.s32 $0x400, s11;
	s12 =	sadd.s32 $0x80, s12;
	s7 =	sadd.s32 $0x10, s7;
	[tilespmem:s18+$0xC130] =	vst.add.f32.msk $0xffff, v9  }
0xd3: {  	[tilespmem:s18+$0xC140] =	vst.add.f32.msk $0xffff, v5  }
0xd4: {  	[tilespmem:s18+$0xC150] =	vst.add.f32.msk $0xffff, v3  }
0xd5: {  	[tilespmem:s18+$0xC160] =	vst.add.f32.msk $0xffff, v4;
	s3 =	sadd.s32 s2, s17;
	s7 =	simm.s32 $0xC100  }
0xd6: {  	[hbm4b:s3+s4] =	stream.linear.scatter [tilespmem:s7], [sflag:$0xA], $0x4000, $0x38;
	[tilespmem:$0x18100] =	vst v63  }
0xd7: {  	_ =	swait.ge [sflag:s0], $0x10  }
0xd8: {  	[sflag:s0] =	ssyncset.done $0x0  }
0xd9: {  	[sflag:s0] =	ssyncadd.s32 $0xFFFFFFF0  }
0xda: {  	v3 =	vld [tilespmem:$0x80];
	_ =	sdelay $0x4  }
0xdb: {  	v4 =	vshll.u32 v3, $0x3  }
0xdc: {  	v3 =	vand.u32 $0x7, v3;
	v4 =	vand.u32 $0xFFFFFFC0, v4  }
0xdd: {  	v3 =	vor.u32 v3, v4  }
0xde: {  	v4 =	vperm.xlane v3, v0;
	_ =	sdelay $0x1  }
0xdf: {  	v4 =	vadd.s32 v1, v4;
	_ =	sdelay $0x3  }
0xe0: {  	s19 =	simm.s32 $0x4100  }
0xe1: {  	[tilespmem:s19], [sflag:$0x4] =	stream.indirect_vreg.gather [hbm4b:s1+s4], $0x80, v4, vm0, $0xb8;
	[tilespmem:$0x18100] =	vst v63  }
0xe2: {  	s17 =	simm.s32 $0x4900;
	v3 =	vperm.xlane v3, v2  }
0xe3: {  	[tilespmem:s17], [sflag:$0x4] =	stream.indirect_vreg.gather [hbm4b:s8+s4], $0x80, v4, vm0, $0xb8;
	[tilespmem:$0x18100] =	vst v63  }
0xe4: {  	s18 =	simm.s32 $0x5100;
	v3 =	vadd.s32 v1, v3  }
0xe5: {  	[tilespmem:s18], [sflag:$0x4] =	stream.indirect_vreg.gather [hbm4b:s9+s4], $0x80, v4, vm0, $0xb8;
	[tilespmem:$0x18100] =	vst v63  }
0xe6: {  	s7 =	simm.s32 $0x5900  }
0xe7: {  	[tilespmem:s7], [sflag:$0x4] =	stream.indirect_vreg.gather [hbm4b:s10+s4], $0x80, v4, vm0, $0xb8;
	[tilespmem:$0x18100] =	vst v63  }
0xe8: {  	s11 =	simm.s32 $0x6100  }
0xe9: {  	[tilespmem:s11], [sflag:$0x4] =	stream.indirect_vreg.gather [hbm4b:s1+s4], $0x80, v3, vm0, $0xb8;
	[tilespmem:$0x18100] =	vst v63  }
0xea: {  	s12 =	simm.s32 $0x6900  }
0xeb: {  	[tilespmem:s12], [sflag:$0x4] =	stream.indirect_vreg.gather [hbm4b:s8+s4], $0x80, v3, vm0, $0xb8;
	[tilespmem:$0x18100] =	vst v63  }
0xec: {  	_ = 	snop  }
0xed: {  	[tilespmem:s21], [sflag:$0x4] =	stream.indirect_vreg.gather [hbm4b:s9+s4], $0x80, v3, vm0, $0xb8;
	[tilespmem:$0x18100] =	vst v63  }
0xee: {  	_ = 	snop  }
0xef: {  	[tilespmem:s22], [sflag:$0x4] =	stream.indirect_vreg.gather [hbm4b:s10+s4], $0x80, v3, vm0, $0xb8;
	[tilespmem:$0x18100] =	vst v63  }
0xf0: {  	_ =	swait.ge [sflag:s24], $0x4000  }
0xf1: {  	[sflag:s24] =	ssyncset.done $0x0  }
0xf2: {  	[sflag:s24] =	ssyncadd.s32 $0xFFFFC000  }
0xf3: {  	_ =	swait.ge [sflag:s31], $0x4000  }
0xf4: {  	p0 =	seq.s32 s23, $0xF;
	[sflag:s31] =	ssyncset.done $0x0  }
0xf5: {  	s3 =	simm.s32 @p0 $0x9;
	[sflag:s31] =	ssyncadd.s32 $0xFFFFC000  }
0xf6: {  	_ =	swait.ge @p0 [sflag:s3], $0x4000  }
0xf7: {  	s7 =	rddreg [dreg:$0xc]  }
0xf8: {  	s7 =	sadd.s32 @!p0 s5, s7  }
0xf9: {  	[sflag:s3] =	ssyncset.done @p0 $0x0;
	s7 =	sshrl.u32 @!p0 s7, $0x3  }
0xfa: {  	[sflag:s3] =	ssyncadd.s32 @p0 $0xFFFFC000;
	s3 =	sadd.s32 @!p0 s6, s7;
	s7 =	simm.s32 @!p0 $0x0  }
0xfb: {  	[tilespmem:s7], [sflag:$0x1] =	stream.linear.gather @!p0 [hbm4b:s3+s7], $0x10, $0x38;
	[tilespmem:$0x18100] =	vst v63  }
0xfc: {  	s13 =	simm.s32 $0x0;
	s3 =	simm.s32 @!p0 $0x9  }
0xfd: {  	s17 =	sand.u32 $0x2000, s13;
	_ =	swait.ge @!p0 [sflag:s3], $0x4000  }
0xfe: {  	s18 =	sand.u32 $0x1C00, s13;
	s11 =	sshll.u32 @!p0 s15, $0x7;
	[sflag:s3] =	ssyncset.done @!p0 $0x0  }
0xff: {  	[sflag:s3] =	ssyncadd.s32 @!p0 $0xFFFFC000;
	s3 =	sadd.s32 @!p0 s11, s16;
	s11 =	simm.s32 @!p0 $0x8100  }
0x100: {  	[tilespmem:s11], [sflag:$0x5] =	stream.linear.gather @!p0 [hbm4b:s3+s7], $0x4000, $0x38;
	[tilespmem:$0x18100] =	vst v63  }
0x101: {  	s7 =	sor.u32 s18, s17;
	s3 =	sand.u32 $0x380, s13  }
0x102: {  	s17 =	sor.u32 s3, s7  }
0x103: {  	v3 =	vld [tilespmem:s17+$0x170]  }
0x104: {  	v6 =	vld [tilespmem:s17+$0x100]  }
0x105: {  	v7 =	vld [tilespmem:s17+$0x110]  }
0x106: {  	v8 =	vld [tilespmem:s17+$0x120]  }
0x107: {  	v9 =	vld [tilespmem:s17+$0x130]  }
0x108: {  	v5 =	vld [tilespmem:s17+$0x140]  }
0x109: {  	v4 =	vld [tilespmem:s17+$0x150]  }
0x10a: {  	[tilespmem:s17+$0x10170] =	vst.add.f32.msk $0xffff, v3  }
0x10b: {  	v3 =	vld [tilespmem:s17+$0x160]  }
0x10c: {  	[tilespmem:s17+$0x10100] =	vst.add.f32.msk $0xffff, v6  }
0x10d: {  	[tilespmem:s17+$0x10110] =	vst.add.f32.msk $0xffff, v7  }
0x10e: {  	s12 =	simm.s32 $0x80;
	[tilespmem:s17+$0x10120] =	vst.add.f32.msk $0xffff, v8  }
0x10f: {  	s11 =	simm.s32 $0x400;
	s3 =	simm.s32 $0x0;
	s7 =	simm.s32 $0x10;
	[tilespmem:s17+$0x10130] =	vst.add.f32.msk $0xffff, v9  }
.LBB2_7:
0x110: {  	s13 =	sand.u32 $0x2000, s12;
	s18 =	sand.u32 $0x1C00, s11;
	s3 =	sadd.s32 $0x8, s3;
	[tilespmem:s17+$0x10140] =	vst.add.f32.msk $0xffff, v5  }
0x111: {  	s13 =	sor.u32 s18, s13;
	s18 =	sand.u32 $0x380, s7;
	p1 =	slt.u32 s3, $0x3F8;
	[tilespmem:s17+$0x10150] =	vst.add.f32.msk $0xffff, v4  }
0x112: {  	[tilespmem:s17+$0x10160] =	vst.add.f32.msk $0xffff, v3;
	s17 =	sor.u32 s18, s13  }
0x113: {  	v3 =	vld [tilespmem:s17+$0x170]  }
0x114: {  	v6 =	vld [tilespmem:s17+$0x100]  }
0x115: {  	v7 =	vld [tilespmem:s17+$0x110]  }
0x116: {  	v8 =	vld [tilespmem:s17+$0x120]  }
0x117: {  	v9 =	vld [tilespmem:s17+$0x130]  }
0x118: {  	[tilespmem:s17+$0x10170] =	vst.add.f32.msk $0xffff, v3  }
0x119: {  	v5 =	vld [tilespmem:s17+$0x140]  }
0x11a: {  	v4 =	vld [tilespmem:s17+$0x150]  }
.Ltmp4:
0x11b: {  	v3 =	vld [tilespmem:s17+$0x160];
	(pc) =	sbr.rel @p1 .LBB2_7-.Ltmp4, $4  }
0x11c: {  	[tilespmem:s17+$0x10100] =	vst.add.f32.msk $0xffff, v6  }
0x11d: {  	[tilespmem:s17+$0x10110] =	vst.add.f32.msk $0xffff, v7  }
0x11e: {  	[tilespmem:s17+$0x10120] =	vst.add.f32.msk $0xffff, v8  }
0x11f: {  	s11 =	sadd.s32 $0x400, s11;
	s12 =	sadd.s32 $0x80, s12;
	s7 =	sadd.s32 $0x10, s7;
	[tilespmem:s17+$0x10130] =	vst.add.f32.msk $0xffff, v9  }
0x120: {  	[tilespmem:s17+$0x10140] =	vst.add.f32.msk $0xffff, v5  }
0x121: {  	[tilespmem:s17+$0x10150] =	vst.add.f32.msk $0xffff, v4;
	s3 =	sshll.u32 s15, $0x7  }
0x122: {  	[tilespmem:s17+$0x10160] =	vst.add.f32.msk $0xffff, v3;
	s3 =	sadd.s32 s2, s3  }
0x123: {  	[hbm4b:s3+s4] =	stream.linear.scatter [tilespmem:s26], [sflag:$0xB], $0x4000, $0x38;
	[tilespmem:$0x18100] =	vst v63  }
0x124: {  	s3 =	simm.s32 @p0 $0x4  }
0x125: {  	_ =	swait.ge @p0 [sflag:s3], $0x4000  }
0x126: {  	[sflag:s3] =	ssyncset.done @p0 $0x0  }
0x127: {  	[sflag:s3] =	ssyncadd.s32 @p0 $0xFFFFC000;
	s3 =	simm.s32 @p0 $0x8  }
0x128: {  	_ =	swait.ge @p0 [sflag:s3], $0x4000  }
0x129: {  	[sflag:s3] =	ssyncset.done @p0 $0x0  }
0x12a: {  	[sflag:s3] =	ssyncadd.s32 @p0 $0xFFFFC000;
	s3 =	simm.s32 @p0 $0xA  }
0x12b: {  	_ =	swait.ge @p0 [sflag:s3], $0x4000  }
0x12c: {  	[sflag:s3] =	ssyncset.done @p0 $0x0  }
0x12d: {  	[sflag:s3] =	ssyncadd.s32 @p0 $0xFFFFC000;
	s3 =	simm.s32 @!p0 $0x1  }
0x12e: {  	_ =	swait.ge @!p0 [sflag:s3], $0x10  }
0x12f: {  	[sflag:s3] =	ssyncset.done @!p0 $0x0  }
0x130: {  	[sflag:s3] =	ssyncadd.s32 @!p0 $0xFFFFFFF0  }
0x131: {  	v3 =	vld @!p0 [tilespmem:$0x0];
	_ =	sdelay $0x4  }
0x132: {  	v4 =	vshll.u32 @!p0 v3, $0x3  }
0x133: {  	v5 =	vlaneseq.u32 @!p0;
	v3 =	vand.u32 @!p0 $0x7, v3;
	v4 =	vand.u32 @!p0 $0xFFFFFFC0, v4  }
0x134: {  	v6 =	vshrl.u32 @!p0 v5, $0x3;
	v3 =	vor.u32 @!p0 v3, v4;
	v4 =	vand.u32 @!p0 $0x7, v5  }
0x135: {  	v6 =	vmul.u32 @!p0 $0x8, v6;
	v4 =	vperm.xlane @!p0 v3, v4;
	_ =	sdelay $0x1  }
0x136: {  	v4 =	vadd.s32 @!p0 v6, v4;
	_ =	sdelay $0x3  }
0x137: {  	vm1 =	vmmov @!p0 $0xffff;
	s7 =	simm.s32 @!p0 $0x100;
	s3 =	simm.s32 @!p0 $0x0  }
0x138: {  	v5 =	vor.u32 @!p0 $0x8, v5;
	[tilespmem:s7], [sflag:$0x3] =	stream.indirect_vreg.gather @!p0 [hbm4b:s1+s3], $0x80, v4, vm1, $0xb8;
	[tilespmem:$0x18100] =	vst v63  }
0x139: {  	v3 =	vperm.xlane @!p0 v3, v5;
	s7 =	simm.s32 @!p0 $0x900  }
0x13a: {  	[tilespmem:s7], [sflag:$0x3] =	stream.indirect_vreg.gather @!p0 [hbm4b:s8+s3], $0x80, v4, vm1, $0xb8;
	[tilespmem:$0x18100] =	vst v63  }
0x13b: {  	v3 =	vadd.s32 @!p0 v6, v3;
	s7 =	simm.s32 @!p0 $0x1100  }
0x13c: {  	[tilespmem:s7], [sflag:$0x3] =	stream.indirect_vreg.gather @!p0 [hbm4b:s9+s3], $0x80, v4, vm1, $0xb8;
	[tilespmem:$0x18100] =	vst v63  }
0x13d: {  	s7 =	simm.s32 @!p0 $0x1900  }
0x13e: {  	[tilespmem:s7], [sflag:$0x3] =	stream.indirect_vreg.gather @!p0 [hbm4b:s10+s3], $0x80, v4, vm1, $0xb8;
	[tilespmem:$0x18100] =	vst v63  }
0x13f: {  	s7 =	simm.s32 @!p0 $0x2100  }
0x140: {  	[tilespmem:s7], [sflag:$0x3] =	stream.indirect_vreg.gather @!p0 [hbm4b:s1+s3], $0x80, v3, vm1, $0xb8;
	[tilespmem:$0x18100] =	vst v63  }
0x141: {  	s7 =	simm.s32 @!p0 $0x2900  }
0x142: {  	[tilespmem:s7], [sflag:$0x3] =	stream.indirect_vreg.gather @!p0 [hbm4b:s8+s3], $0x80, v3, vm1, $0xb8;
	[tilespmem:$0x18100] =	vst v63  }
0x143: {  	s7 =	simm.s32 @!p0 $0x3100  }
0x144: {  	[tilespmem:s7], [sflag:$0x3] =	stream.indirect_vreg.gather @!p0 [hbm4b:s9+s3], $0x80, v3, vm1, $0xb8;
	[tilespmem:$0x18100] =	vst v63  }
0x145: {  	s7 =	simm.s32 @!p0 $0x3900  }
0x146: {  	[tilespmem:s7], [sflag:$0x3] =	stream.indirect_vreg.gather @!p0 [hbm4b:s10+s3], $0x80, v3, vm1, $0xb8;
	[tilespmem:$0x18100] =	vst v63  }
0x147: {  	s7 =	simm.s32 @!p0 $0x4  }
0x148: {  	_ =	swait.ge @!p0 [sflag:s7], $0x4000  }
0x149: {  	[sflag:s7] =	ssyncset.done @!p0 $0x0  }
0x14a: {  	[sflag:s7] =	ssyncadd.s32 @!p0 $0xFFFFC000;
	s7 =	simm.s32 @!p0 $0x8  }
0x14b: {  	_ =	swait.ge @!p0 [sflag:s7], $0x4000  }
0x14c: {  	s11 =	rddreg [dreg:$0xd]  }
0x14d: {  	s5 =	sadd.s32 @!p0 s5, s11  }
0x14e: {  	[sflag:s7] =	ssyncset.done @!p0 $0x0;
	s5 =	sshrl.u32 @!p0 s5, $0x3  }
0x14f: {  	[sflag:s7] =	ssyncadd.s32 @!p0 $0xFFFFC000;
	s7 =	simm.s32 @!p0 $0x80;
	s5 =	sadd.s32 @!p0 s6, s5  }
0x150: {  	[tilespmem:s7], [sflag:$0x2] =	stream.linear.gather @!p0 [hbm4b:s5+s3], $0x10, $0x38;
	[tilespmem:$0x18100] =	vst v63  }
0x151: {  	s15 =	simm.s32 $0x0;
	s5 =	simm.s32 @!p0 $0xA  }
0x152: {  	s17 =	sand.u32 $0x2000, s15;
	_ =	swait.ge @!p0 [sflag:s5], $0x4000  }
0x153: {  	s18 =	sand.u32 $0x1C00, s15;
	s7 =	sshll.u32 @!p0 s14, $0x7;
	[sflag:s5] =	ssyncset.done @!p0 $0x0  }
0x154: {  	[sflag:s5] =	ssyncadd.s32 @!p0 $0xFFFFC000;
	s5 =	sadd.s32 @!p0 s7, s16;
	s7 =	simm.s32 @!p0 $0xC100  }
0x155: {  	[tilespmem:s7], [sflag:$0x6] =	stream.linear.gather @!p0 [hbm4b:s5+s3], $0x4000, $0x38;
	[tilespmem:$0x18100] =	vst v63  }
0x156: {  	s5 =	sor.u32 s18, s17;
	s3 =	sand.u32 $0x380, s15  }
0x157: {  	s5 =	sor.u32 s3, s5  }
0x158: {  	v3 =	vld [tilespmem:s5+$0x4170]  }
0x159: {  	v6 =	vld [tilespmem:s5+$0x4100]  }
0x15a: {  	v7 =	vld [tilespmem:s5+$0x4110]  }
0x15b: {  	v8 =	vld [tilespmem:s5+$0x4120]  }
0x15c: {  	v9 =	vld [tilespmem:s5+$0x4130]  }
0x15d: {  	v5 =	vld [tilespmem:s5+$0x4140]  }
0x15e: {  	v4 =	vld [tilespmem:s5+$0x4150]  }
0x15f: {  	[tilespmem:s5+$0x14170] =	vst.add.f32.msk $0xffff, v3  }
0x160: {  	v3 =	vld [tilespmem:s5+$0x4160]  }
0x161: {  	[tilespmem:s5+$0x14100] =	vst.add.f32.msk $0xffff, v6  }
0x162: {  	[tilespmem:s5+$0x14110] =	vst.add.f32.msk $0xffff, v7  }
0x163: {  	s12 =	simm.s32 $0x80;
	[tilespmem:s5+$0x14120] =	vst.add.f32.msk $0xffff, v8  }
0x164: {  	s11 =	simm.s32 $0x400;
	s7 =	simm.s32 $0x10;
	s3 =	simm.s32 $0x0;
	[tilespmem:s5+$0x14130] =	vst.add.f32.msk $0xffff, v9  }
.LBB2_9:
0x165: {  	s13 =	sand.u32 $0x2000, s12;
	s15 =	sand.u32 $0x1C00, s11;
	s3 =	sadd.s32 $0x8, s3;
	[tilespmem:s5+$0x14140] =	vst.add.f32.msk $0xffff, v5  }
0x166: {  	s13 =	sor.u32 s15, s13;
	s15 =	sand.u32 $0x380, s7;
	p1 =	slt.u32 s3, $0x3F8;
	[tilespmem:s5+$0x14150] =	vst.add.f32.msk $0xffff, v4  }
0x167: {  	[tilespmem:s5+$0x14160] =	vst.add.f32.msk $0xffff, v3;
	s5 =	sor.u32 s15, s13  }
0x168: {  	v3 =	vld [tilespmem:s5+$0x4170]  }
0x169: {  	v6 =	vld [tilespmem:s5+$0x4100]  }
0x16a: {  	v7 =	vld [tilespmem:s5+$0x4110]  }
0x16b: {  	v8 =	vld [tilespmem:s5+$0x4120]  }
0x16c: {  	v9 =	vld [tilespmem:s5+$0x4130]  }
0x16d: {  	[tilespmem:s5+$0x14170] =	vst.add.f32.msk $0xffff, v3  }
0x16e: {  	v5 =	vld [tilespmem:s5+$0x4140]  }
0x16f: {  	v4 =	vld [tilespmem:s5+$0x4150]  }
.Ltmp5:
0x170: {  	v3 =	vld [tilespmem:s5+$0x4160];
	(pc) =	sbr.rel @p1 .LBB2_9-.Ltmp5, $4  }
0x171: {  	[tilespmem:s5+$0x14100] =	vst.add.f32.msk $0xffff, v6  }
0x172: {  	[tilespmem:s5+$0x14110] =	vst.add.f32.msk $0xffff, v7  }
0x173: {  	[tilespmem:s5+$0x14120] =	vst.add.f32.msk $0xffff, v8  }
0x174: {  	s11 =	sadd.s32 $0x400, s11;
	s12 =	sadd.s32 $0x80, s12;
	s7 =	sadd.s32 $0x10, s7;
	[tilespmem:s5+$0x14130] =	vst.add.f32.msk $0xffff, v9  }
.Ltmp6:
0x175: {  	(pc) =	sbr.rel @p0 .LBB2_12-.Ltmp6, $4  }
0x176: {  	[tilespmem:s5+$0x14140] =	vst.add.f32.msk $0xffff, v5  }
0x177: {  	[tilespmem:s5+$0x14150] =	vst.add.f32.msk $0xffff, v4;
	s3 =	sshll.u32 s14, $0x7  }
0x178: {  	[tilespmem:s5+$0x14160] =	vst.add.f32.msk $0xffff, v3;
	s3 =	sadd.s32 s2, s3  }
0x179: {  	[hbm4b:s3+s4] =	stream.linear.scatter [tilespmem:s30], [sflag:$0xC], $0x4000, $0x38;
	[tilespmem:$0x18100] =	vst v63  }
0x17a: {  	_ =	swait.ge [sflag:s0], $0x10  }
0x17b: {  	[sflag:s0] =	ssyncset.done $0x0  }
0x17c: {  	[sflag:s0] =	ssyncadd.s32 $0xFFFFFFF0  }
0x17d: {  	v3 =	vld [tilespmem:$0x80];
	_ =	sdelay $0x4  }
0x17e: {  	v4 =	vshll.u32 v3, $0x3  }
0x17f: {  	v3 =	vand.u32 $0x7, v3;
	v4 =	vand.u32 $0xFFFFFFC0, v4  }
0x180: {  	v3 =	vor.u32 v3, v4  }
0x181: {  	v4 =	vperm.xlane v3, v0;
	_ =	sdelay $0x1  }
0x182: {  	v4 =	vadd.s32 v1, v4;
	_ =	sdelay $0x4  }
0x183: {  	[tilespmem:s19], [sflag:$0x4] =	stream.indirect_vreg.gather [hbm4b:s1+s4], $0x80, v4, vm0, $0xb8;
	[tilespmem:$0x18100] =	vst v63  }
0x184: {  	s3 =	simm.s32 $0x4900;
	v3 =	vperm.xlane v3, v2  }
0x185: {  	[tilespmem:s3], [sflag:$0x4] =	stream.indirect_vreg.gather [hbm4b:s8+s4], $0x80, v4, vm0, $0xb8;
	[tilespmem:$0x18100] =	vst v63  }
0x186: {  	s15 =	simm.s32 $0x5100;
	v3 =	vadd.s32 v1, v3  }
0x187: {  	[tilespmem:s15], [sflag:$0x4] =	stream.indirect_vreg.gather [hbm4b:s9+s4], $0x80, v4, vm0, $0xb8;
	[tilespmem:$0x18100] =	vst v63  }
0x188: {  	s17 =	simm.s32 $0x5900  }
0x189: {  	[tilespmem:s17], [sflag:$0x4] =	stream.indirect_vreg.gather [hbm4b:s10+s4], $0x80, v4, vm0, $0xb8;
	[tilespmem:$0x18100] =	vst v63  }
0x18a: {  	s18 =	simm.s32 $0x6100  }
0x18b: {  	[tilespmem:s18], [sflag:$0x4] =	stream.indirect_vreg.gather [hbm4b:s1+s4], $0x80, v3, vm0, $0xb8;
	[tilespmem:$0x18100] =	vst v63  }
0x18c: {  	s19 =	simm.s32 $0x6900  }
0x18d: {  	[tilespmem:s19], [sflag:$0x4] =	stream.indirect_vreg.gather [hbm4b:s8+s4], $0x80, v3, vm0, $0xb8;
	[tilespmem:$0x18100] =	vst v63  }
.Ltmp7:
0x18e: {  	_ = 	snop;
	(pc) =	sbr.rel .LBB2_2-.Ltmp7, $4  }
0x18f: {  	_ = 	snop  }
0x190: {  	[tilespmem:s21], [sflag:$0x4] =	stream.indirect_vreg.gather [hbm4b:s9+s4], $0x80, v3, vm0, $0xb8;
	[tilespmem:$0x18100] =	vst v63  }
0x191: {  	s23 =	sadd.s32 $0x1, s23  }
0x192: {  	[tilespmem:s22], [sflag:$0x4] =	stream.indirect_vreg.gather [hbm4b:s10+s4], $0x80, v3, vm0, $0xb8;
	[tilespmem:$0x18100] =	vst v63  }
.LBB2_13:
0x193: {  	_ =	sfence.sel $0x180000  }
0x194: {  	[bflag:$0x0] =	sbarrier.arrive $0xFFFF  }
0x195: {  	_ =	strace $0x90000047  }
0x196: {  	s0 =	stileid.u32;
	[bflag:$0x2] =	sbarrier.arrive $0xFFFF  }
0x197: {  	p0 =	sne.s32 s0, $0x0;
	s0 =	rddreg [dreg:$0x4]  }
0x198: {  	s0 =	sadd.s32 @!p0 $0x100000, s0  }
0x199: {  	[sflag:s0] =	ssyncadd.tile.s32 @!p0 $0x1;
	_ =	shalt  }
.Lfunc_end2:
_tile_overlayer_lowered:
.L_overlay_start_2:
0x19a: {  	(tag) =	ssettag $0x2  }
0x19b: {  	s0 =	rddreg [dreg:$0x0];
	s2 =	stileid.u32  }
0x19c: {  	s1 =	rddreg [dreg:$0x1];
	p0 =	sne.s32 s2, $0x0  }
0x19d: {  	s3 =	rddreg [dreg:$0x2];
	[bflag:$0x3] =	sbarrier.arrive $0xFFFF;
	s2 =	simm.s32 @!p0 $0x1C0D  }
0x19e: {  	[timem:s3], [sflag:s2] =	dma.local @!p0 [hbm:s0], s1  }
0x19f: {  	s0 =	simm.s32 @!p0 $0xD  }
0x1a0: {  	_ =	swait.ge @!p0 [sflag:s0], s1  }
0x1a1: {  	s1 =	ssub.s32 @!p0 $0x0, s1;
	[sflag:s0] =	ssyncset.done @!p0 $0x0  }
0x1a2: {  	[sflag:s0] =	ssyncadd.s32 @!p0 s1  }
0x1a3: {  	[bflag:$0x3] =	sbarrier.arrive $0xFFFF  }
0x1a4: {  	_ =	shalt  }

</sc_bundles>
